<compile_context>
chip_gen: v7x
topology: tpu7x:2x2x1
jax: 0.10.2.dev20260603
libtpu: 0.0.44.dev20260713+nightly
codegen_flags: <defaults>
</compile_context>

<pallas_src>
import functools

import jax
import jax.numpy as jnp
from jax import lax
from jax.experimental import pallas as pl
from jax.experimental.pallas import tpu as pltpu, tpu_sc as plsc

_INFO = plsc.get_sparse_core_info()
_NC = _INFO.num_cores
_NS = _INFO.num_subcores
_NW = _NC * _NS
_CHUNK = 128
_L = 16


@functools.partial(jax.jit, static_argnums=(2, 3))
def _gather_t(idx, w_all, b_per_w, d):
    n_chunks = b_per_w // _CHUNK
    batch = idx.shape[0]
    mesh = plsc.VectorSubcoreMesh(core_axis_name="c", subcore_axis_name="s")

    @functools.partial(
        pl.kernel,
        mesh=mesh,
        out_type=jax.ShapeDtypeStruct((d, batch), jnp.float32),
        scratch_types=[
            pltpu.VMEM((b_per_w,), jnp.int32),
            pltpu.VMEM((b_per_w, d), jnp.float32),
            pltpu.VMEM((d, b_per_w + 1), jnp.float32),
            pltpu.SemaphoreType.DMA((4,)),
            pltpu.SemaphoreType.DMA,
        ],
        compiler_params=pltpu.CompilerParams(
            use_tc_tiling_on_sc=False, needs_layout_passes=False),
    )
    def body(table_hbm, idx_hbm, out_hbm, idx_v, rows_v, cols_v, gsem, wsem):
        wid = lax.axis_index("s") * _NC + lax.axis_index("c")
        base = wid * b_per_w
        pltpu.sync_copy(idx_hbm.at[pl.ds(base, b_per_w)], idx_v)
        gathers = [
            pltpu.make_async_copy(
                table_hbm.at[idx_v.at[pl.ds(j * _CHUNK, _CHUNK)]],
                rows_v.at[pl.ds(j * _CHUNK, _CHUNK)],
                gsem.at[j % 4],
            )
            for j in range(n_chunks)
        ]
        for c in gathers:
            c.start()
        for c in gathers:
            c.wait()

        lane = lax.iota(jnp.int32, _L)
        dvecs = [lane + db * _L for db in range(d // _L)]

        @plsc.parallel_loop(0, b_per_w, 4, unroll=2)
        def tbody(i):
            for u in range(4):
                bi = i + u
                ci = jnp.full((_L,), 0, jnp.int32) + bi
                for db in range(d // _L):
                    v = rows_v[bi, pl.ds(db * _L, _L)]
                    plsc.store_scatter(cols_v, [dvecs[db], ci], v)

        w = pltpu.make_async_copy(
            cols_v.at[:, pl.ds(0, b_per_w)],
            out_hbm.at[:, pl.ds(base, b_per_w)], wsem)
        w.start()
        w.wait()

    return body(w_all, idx)


def kernel(inputs, w_all):
    batch = inputs.shape[0]
    d = w_all.shape[1]
    b_per_w = batch // _NW
    out_t = _gather_t(inputs.astype(jnp.int32), w_all.astype(jnp.float32),
                      b_per_w, d)
    return out_t.T[:, :, None]

# --- scband reference (transcript-rebuilt; emitter-appended) ---
"""Pipeline reference for scband-separate-attention-12257836663099 (READ-ONLY COPY).

The authoritative reference and input builder live on the scoring server;
editing this copy changes nothing except your own understanding.
"""

import jax, jax.numpy as jnp
import numpy as np

N_DIM = 64
N_GROUP = 1000
BATCH = 16384


def setup_inputs(seed: int = 0) -> dict:
    key = jax.random.key(seed)
    k_idx, k_w = jax.random.split(key)
    inputs = jax.random.randint(k_idx, (BATCH,), 0, N_GROUP, dtype=jnp.int64 if jax.config.read('jax_enable_x64') else jnp.int32)
    # w_all is the concatenation of per-group attention weight rows [1, n_dim].
    # Original init: Dirichlet(alpha=1) sample scaled by n_dim (rows sum to n_dim).
    g = jax.random.exponential(k_w, (N_GROUP, N_DIM), dtype=jnp.float32)
    w_all = N_DIM * g / jnp.sum(g, axis=1, keepdims=True)
    return {"inputs": inputs, "w_all": w_all}


def reference(inputs, w_all):
    # SeparateAttention.call: concat per-group rows -> gather by group_id -> expand dims
    w_expand = jnp.take(w_all, inputs, axis=0)  # [B, n_dim]
    w_expand = jnp.expand_dims(w_expand, axis=2)  # [B, n_dim, 1]
    return w_expand

if __name__ == "__main__":
    import jax
    _d = setup_inputs()
    print(jax.jit(kernel)(*tuple(_d.values())))

</pallas_src>

<mosaic_0001>
#map = affine_map<(d0, d1) -> (0, 0)>
#map1 = affine_map<(d0, d1) -> (0)>
module attributes {stable_mosaic.version = 14 : i64} {
  func.func @body(%arg0: i32, %arg1: i32, %arg2: memref<1000x64xf32, #tpu.memory_space<hbm>>, %arg3: memref<16384xi32, #tpu.memory_space<hbm>>, %arg4: memref<64x16384xf32, #tpu.memory_space<hbm>>, %arg5: memref<512xi32, #tpu.memory_space<vmem>>, %arg6: memref<512x64xf32, #tpu.memory_space<vmem>>, %arg7: memref<64x513xf32, #tpu.memory_space<vmem>>, %arg8: memref<4x!tpu.dma_semaphore, #tpu.memory_space<semaphore_mem>>, %arg9: memref<!tpu.dma_semaphore, #tpu.memory_space<semaphore_mem>>) attributes {dimension_semantics = [#tpu.dimension_semantics<core_parallel>, #tpu.dimension_semantics<subcore_parallel>], iteration_bounds = array<i64: 2, 16>, scalar_prefetch = 0 : i64, scratch_operands = 5 : i64, tpu.core_type = #tpu.core_type<sc_vector_subcore>, window_params = [{transform_indices = #map}, {transform_indices = #map1}, {transform_indices = #map}]} {
    %mul3A = arith.constant 2 : i32
    %mul3A_0 = arith.muli %arg1, %mul3A : i32
    %add3A = arith.addi %mul3A_0, %arg0 : i32
    %mul3A_1 = arith.constant 512 : i32
    %mul3A_2 = arith.muli %add3A, %mul3A_1 : i32
    "tpu.region"() ({
      %run_scoped3A = tpu.sem_alloc : memref<!tpu.dma_semaphore, #tpu.memory_space<semaphore_mem>>
      %dma_start3A_123 = tpu.memref_slice %arg3[%mul3A_2] : memref<16384xi32, #tpu.memory_space<hbm>> -> memref<512xi32, #tpu.memory_space<hbm>>
      %dma_start3A_124 = tpu.memref_slice %arg3[%mul3A_2] : memref<16384xi32, #tpu.memory_space<hbm>> -> memref<512xi32, #tpu.memory_space<hbm>>
      tpu.enqueue_dma source(%dma_start3A_124 : memref<512xi32, #tpu.memory_space<hbm>>) target(%arg5 : memref<512xi32, #tpu.memory_space<vmem>>) target_semaphore(%run_scoped3A : memref<!tpu.dma_semaphore, #tpu.memory_space<semaphore_mem>>)
      %dma_wait3A_125 = tpu.memref_slice %arg3[%mul3A_2] : memref<16384xi32, #tpu.memory_space<hbm>> -> memref<512xi32, #tpu.memory_space<hbm>>
      %dma_wait3A_126 = tpu.memref_slice %arg3[%mul3A_2] : memref<16384xi32, #tpu.memory_space<hbm>> -> memref<512xi32, #tpu.memory_space<hbm>>
      tpu.wait_dma2 semaphore(%run_scoped3A : memref<!tpu.dma_semaphore, #tpu.memory_space<semaphore_mem>>) src(%dma_wait3A_126 : memref<512xi32, #tpu.memory_space<hbm>>) dst(%arg5 : memref<512xi32, #tpu.memory_space<vmem>>)
      tpu.yield
    }) : () -> ()
    %dma_start3A = arith.constant 0 : i32
    %dma_start3A_3 = arith.constant 0 : i32
    %dma_start3A_4 = arith.constant 0 : i32
    %dma_start3A_5 = tpu.memref_slice %arg6[%dma_start3A_3, %dma_start3A_4] : memref<512x64xf32, #tpu.memory_space<vmem>> -> memref<128x64xf32, #tpu.memory_space<vmem>>
    %dma_start3A_6 = arith.constant 0 : i32
    %dma_start3A_7 = tpu.memref_slice %arg5[%dma_start3A_6] : memref<512xi32, #tpu.memory_space<vmem>> -> memref<128xi32, #tpu.memory_space<vmem>>
    %dma_start3A_8 = arith.constant 0 : i32
    %dma_start3A_9 = arith.constant 0 : i32
    %dma_start3A_10 = tpu.memref_slice %arg2[%dma_start3A_8, %dma_start3A_9] : memref<1000x64xf32, #tpu.memory_space<hbm>> -> memref<1000x64xf32, #tpu.memory_space<hbm>>
    %dma_start3A_11 = tpu.memref_slice %arg8[%dma_start3A] : memref<4x!tpu.dma_semaphore, #tpu.memory_space<semaphore_mem>> -> memref<1x!tpu.dma_semaphore, #tpu.memory_space<semaphore_mem>>
    %dma_start3A_12 = tpu.memref_squeeze %dma_start3A_11 : memref<1x!tpu.dma_semaphore, #tpu.memory_space<semaphore_mem>> -> memref<!tpu.dma_semaphore, #tpu.memory_space<semaphore_mem>>
    tpu.enqueue_indirect_dma source(%dma_start3A_10 : memref<1000x64xf32, #tpu.memory_space<hbm>>) target(%dma_start3A_5 : memref<128x64xf32, #tpu.memory_space<vmem>>) offsets(%dma_start3A_7 : memref<128xi32, #tpu.memory_space<vmem>>) semaphore(%dma_start3A_12 : memref<!tpu.dma_semaphore, #tpu.memory_space<semaphore_mem>>)
    %dma_start3A_13 = arith.constant 1 : i32
    %dma_start3A_14 = arith.constant 128 : i32
    %dma_start3A_15 = arith.constant 0 : i32
    %dma_start3A_16 = tpu.memref_slice %arg6[%dma_start3A_14, %dma_start3A_15] : memref<512x64xf32, #tpu.memory_space<vmem>> -> memref<128x64xf32, #tpu.memory_space<vmem>>
    %dma_start3A_17 = arith.constant 128 : i32
    %dma_start3A_18 = tpu.memref_slice %arg5[%dma_start3A_17] : memref<512xi32, #tpu.memory_space<vmem>> -> memref<128xi32, #tpu.memory_space<vmem>>
    %dma_start3A_19 = arith.constant 0 : i32
    %dma_start3A_20 = arith.constant 0 : i32
    %dma_start3A_21 = tpu.memref_slice %arg2[%dma_start3A_19, %dma_start3A_20] : memref<1000x64xf32, #tpu.memory_space<hbm>> -> memref<1000x64xf32, #tpu.memory_space<hbm>>
    %dma_start3A_22 = tpu.memref_slice %arg8[%dma_start3A_13] : memref<4x!tpu.dma_semaphore, #tpu.memory_space<semaphore_mem>> -> memref<1x!tpu.dma_semaphore, #tpu.memory_space<semaphore_mem>>
    %dma_start3A_23 = tpu.memref_squeeze %dma_start3A_22 : memref<1x!tpu.dma_semaphore, #tpu.memory_space<semaphore_mem>> -> memref<!tpu.dma_semaphore, #tpu.memory_space<semaphore_mem>>
    tpu.enqueue_indirect_dma source(%dma_start3A_21 : memref<1000x64xf32, #tpu.memory_space<hbm>>) target(%dma_start3A_16 : memref<128x64xf32, #tpu.memory_space<vmem>>) offsets(%dma_start3A_18 : memref<128xi32, #tpu.memory_space<vmem>>) semaphore(%dma_start3A_23 : memref<!tpu.dma_semaphore, #tpu.memory_space<semaphore_mem>>)
    %dma_start3A_24 = arith.constant 2 : i32
    %dma_start3A_25 = arith.constant 256 : i32
    %dma_start3A_26 = arith.constant 0 : i32
    %dma_start3A_27 = tpu.memref_slice %arg6[%dma_start3A_25, %dma_start3A_26] : memref<512x64xf32, #tpu.memory_space<vmem>> -> memref<128x64xf32, #tpu.memory_space<vmem>>
    %dma_start3A_28 = arith.constant 256 : i32
    %dma_start3A_29 = tpu.memref_slice %arg5[%dma_start3A_28] : memref<512xi32, #tpu.memory_space<vmem>> -> memref<128xi32, #tpu.memory_space<vmem>>
    %dma_start3A_30 = arith.constant 0 : i32
    %dma_start3A_31 = arith.constant 0 : i32
    %dma_start3A_32 = tpu.memref_slice %arg2[%dma_start3A_30, %dma_start3A_31] : memref<1000x64xf32, #tpu.memory_space<hbm>> -> memref<1000x64xf32, #tpu.memory_space<hbm>>
    %dma_start3A_33 = tpu.memref_slice %arg8[%dma_start3A_24] : memref<4x!tpu.dma_semaphore, #tpu.memory_space<semaphore_mem>> -> memref<1x!tpu.dma_semaphore, #tpu.memory_space<semaphore_mem>>
    %dma_start3A_34 = tpu.memref_squeeze %dma_start3A_33 : memref<1x!tpu.dma_semaphore, #tpu.memory_space<semaphore_mem>> -> memref<!tpu.dma_semaphore, #tpu.memory_space<semaphore_mem>>
    tpu.enqueue_indirect_dma source(%dma_start3A_32 : memref<1000x64xf32, #tpu.memory_space<hbm>>) target(%dma_start3A_27 : memref<128x64xf32, #tpu.memory_space<vmem>>) offsets(%dma_start3A_29 : memref<128xi32, #tpu.memory_space<vmem>>) semaphore(%dma_start3A_34 : memref<!tpu.dma_semaphore, #tpu.memory_space<semaphore_mem>>)
    %dma_start3A_35 = arith.constant 3 : i32
    %dma_start3A_36 = arith.constant 384 : i32
    %dma_start3A_37 = arith.constant 0 : i32
    %dma_start3A_38 = tpu.memref_slice %arg6[%dma_start3A_36, %dma_start3A_37] : memref<512x64xf32, #tpu.memory_space<vmem>> -> memref<128x64xf32, #tpu.memory_space<vmem>>
    %dma_start3A_39 = arith.constant 384 : i32
    %dma_start3A_40 = tpu.memref_slice %arg5[%dma_start3A_39] : memref<512xi32, #tpu.memory_space<vmem>> -> memref<128xi32, #tpu.memory_space<vmem>>
    %dma_start3A_41 = arith.constant 0 : i32
    %dma_start3A_42 = arith.constant 0 : i32
    %dma_start3A_43 = tpu.memref_slice %arg2[%dma_start3A_41, %dma_start3A_42] : memref<1000x64xf32, #tpu.memory_space<hbm>> -> memref<1000x64xf32, #tpu.memory_space<hbm>>
    %dma_start3A_44 = tpu.memref_slice %arg8[%dma_start3A_35] : memref<4x!tpu.dma_semaphore, #tpu.memory_space<semaphore_mem>> -> memref<1x!tpu.dma_semaphore, #tpu.memory_space<semaphore_mem>>
    %dma_start3A_45 = tpu.memref_squeeze %dma_start3A_44 : memref<1x!tpu.dma_semaphore, #tpu.memory_space<semaphore_mem>> -> memref<!tpu.dma_semaphore, #tpu.memory_space<semaphore_mem>>
    tpu.enqueue_indirect_dma source(%dma_start3A_43 : memref<1000x64xf32, #tpu.memory_space<hbm>>) target(%dma_start3A_38 : memref<128x64xf32, #tpu.memory_space<vmem>>) offsets(%dma_start3A_40 : memref<128xi32, #tpu.memory_space<vmem>>) semaphore(%dma_start3A_45 : memref<!tpu.dma_semaphore, #tpu.memory_space<semaphore_mem>>)
    %dma_wait3A = arith.constant 0 : i32
    %dma_wait3A_46 = arith.constant 0 : i32
    %dma_wait3A_47 = arith.constant 0 : i32
    %dma_wait3A_48 = tpu.memref_slice %arg6[%dma_wait3A_46, %dma_wait3A_47] : memref<512x64xf32, #tpu.memory_space<vmem>> -> memref<128x64xf32, #tpu.memory_space<vmem>>
    %dma_wait3A_49 = arith.constant 0 : i32
    %dma_wait3A_50 = tpu.memref_slice %arg5[%dma_wait3A_49] : memref<512xi32, #tpu.memory_space<vmem>> -> memref<128xi32, #tpu.memory_space<vmem>>
    %dma_wait3A_51 = arith.constant 0 : i32
    %dma_wait3A_52 = arith.constant 0 : i32
    %dma_wait3A_53 = tpu.memref_slice %arg2[%dma_wait3A_51, %dma_wait3A_52] : memref<1000x64xf32, #tpu.memory_space<hbm>> -> memref<1000x64xf32, #tpu.memory_space<hbm>>
    %dma_wait3A_54 = tpu.memref_slice %arg8[%dma_wait3A] : memref<4x!tpu.dma_semaphore, #tpu.memory_space<semaphore_mem>> -> memref<1x!tpu.dma_semaphore, #tpu.memory_space<semaphore_mem>>
    %dma_wait3A_55 = tpu.memref_squeeze %dma_wait3A_54 : memref<1x!tpu.dma_semaphore, #tpu.memory_space<semaphore_mem>> -> memref<!tpu.dma_semaphore, #tpu.memory_space<semaphore_mem>>
    tpu.wait_indirect_dma semaphore(%dma_wait3A_55 : memref<!tpu.dma_semaphore, #tpu.memory_space<semaphore_mem>>) src(%dma_wait3A_53 : memref<1000x64xf32, #tpu.memory_space<hbm>>) dst(%dma_wait3A_48 : memref<128x64xf32, #tpu.memory_space<vmem>>)
    %dma_wait3A_56 = arith.constant 1 : i32
    %dma_wait3A_57 = arith.constant 128 : i32
    %dma_wait3A_58 = arith.constant 0 : i32
    %dma_wait3A_59 = tpu.memref_slice %arg6[%dma_wait3A_57, %dma_wait3A_58] : memref<512x64xf32, #tpu.memory_space<vmem>> -> memref<128x64xf32, #tpu.memory_space<vmem>>
    %dma_wait3A_60 = arith.constant 128 : i32
    %dma_wait3A_61 = tpu.memref_slice %arg5[%dma_wait3A_60] : memref<512xi32, #tpu.memory_space<vmem>> -> memref<128xi32, #tpu.memory_space<vmem>>
    %dma_wait3A_62 = arith.constant 0 : i32
    %dma_wait3A_63 = arith.constant 0 : i32
    %dma_wait3A_64 = tpu.memref_slice %arg2[%dma_wait3A_62, %dma_wait3A_63] : memref<1000x64xf32, #tpu.memory_space<hbm>> -> memref<1000x64xf32, #tpu.memory_space<hbm>>
    %dma_wait3A_65 = tpu.memref_slice %arg8[%dma_wait3A_56] : memref<4x!tpu.dma_semaphore, #tpu.memory_space<semaphore_mem>> -> memref<1x!tpu.dma_semaphore, #tpu.memory_space<semaphore_mem>>
    %dma_wait3A_66 = tpu.memref_squeeze %dma_wait3A_65 : memref<1x!tpu.dma_semaphore, #tpu.memory_space<semaphore_mem>> -> memref<!tpu.dma_semaphore, #tpu.memory_space<semaphore_mem>>
    tpu.wait_indirect_dma semaphore(%dma_wait3A_66 : memref<!tpu.dma_semaphore, #tpu.memory_space<semaphore_mem>>) src(%dma_wait3A_64 : memref<1000x64xf32, #tpu.memory_space<hbm>>) dst(%dma_wait3A_59 : memref<128x64xf32, #tpu.memory_space<vmem>>)
    %dma_wait3A_67 = arith.constant 2 : i32
    %dma_wait3A_68 = arith.constant 256 : i32
    %dma_wait3A_69 = arith.constant 0 : i32
    %dma_wait3A_70 = tpu.memref_slice %arg6[%dma_wait3A_68, %dma_wait3A_69] : memref<512x64xf32, #tpu.memory_space<vmem>> -> memref<128x64xf32, #tpu.memory_space<vmem>>
    %dma_wait3A_71 = arith.constant 256 : i32
    %dma_wait3A_72 = tpu.memref_slice %arg5[%dma_wait3A_71] : memref<512xi32, #tpu.memory_space<vmem>> -> memref<128xi32, #tpu.memory_space<vmem>>
    %dma_wait3A_73 = arith.constant 0 : i32
    %dma_wait3A_74 = arith.constant 0 : i32
    %dma_wait3A_75 = tpu.memref_slice %arg2[%dma_wait3A_73, %dma_wait3A_74] : memref<1000x64xf32, #tpu.memory_space<hbm>> -> memref<1000x64xf32, #tpu.memory_space<hbm>>
    %dma_wait3A_76 = tpu.memref_slice %arg8[%dma_wait3A_67] : memref<4x!tpu.dma_semaphore, #tpu.memory_space<semaphore_mem>> -> memref<1x!tpu.dma_semaphore, #tpu.memory_space<semaphore_mem>>
    %dma_wait3A_77 = tpu.memref_squeeze %dma_wait3A_76 : memref<1x!tpu.dma_semaphore, #tpu.memory_space<semaphore_mem>> -> memref<!tpu.dma_semaphore, #tpu.memory_space<semaphore_mem>>
    tpu.wait_indirect_dma semaphore(%dma_wait3A_77 : memref<!tpu.dma_semaphore, #tpu.memory_space<semaphore_mem>>) src(%dma_wait3A_75 : memref<1000x64xf32, #tpu.memory_space<hbm>>) dst(%dma_wait3A_70 : memref<128x64xf32, #tpu.memory_space<vmem>>)
    %dma_wait3A_78 = arith.constant 3 : i32
    %dma_wait3A_79 = arith.constant 384 : i32
    %dma_wait3A_80 = arith.constant 0 : i32
    %dma_wait3A_81 = tpu.memref_slice %arg6[%dma_wait3A_79, %dma_wait3A_80] : memref<512x64xf32, #tpu.memory_space<vmem>> -> memref<128x64xf32, #tpu.memory_space<vmem>>
    %dma_wait3A_82 = arith.constant 384 : i32
    %dma_wait3A_83 = tpu.memref_slice %arg5[%dma_wait3A_82] : memref<512xi32, #tpu.memory_space<vmem>> -> memref<128xi32, #tpu.memory_space<vmem>>
    %dma_wait3A_84 = arith.constant 0 : i32
    %dma_wait3A_85 = arith.constant 0 : i32
    %dma_wait3A_86 = tpu.memref_slice %arg2[%dma_wait3A_84, %dma_wait3A_85] : memref<1000x64xf32, #tpu.memory_space<hbm>> -> memref<1000x64xf32, #tpu.memory_space<hbm>>
    %dma_wait3A_87 = tpu.memref_slice %arg8[%dma_wait3A_78] : memref<4x!tpu.dma_semaphore, #tpu.memory_space<semaphore_mem>> -> memref<1x!tpu.dma_semaphore, #tpu.memory_space<semaphore_mem>>
    %dma_wait3A_88 = tpu.memref_squeeze %dma_wait3A_87 : memref<1x!tpu.dma_semaphore, #tpu.memory_space<semaphore_mem>> -> memref<!tpu.dma_semaphore, #tpu.memory_space<semaphore_mem>>
    tpu.wait_indirect_dma semaphore(%dma_wait3A_88 : memref<!tpu.dma_semaphore, #tpu.memory_space<semaphore_mem>>) src(%dma_wait3A_86 : memref<1000x64xf32, #tpu.memory_space<hbm>>) dst(%dma_wait3A_81 : memref<128x64xf32, #tpu.memory_space<vmem>>)
    %iota3A = tpu.iota {dimensions = array<i32: 0>} : vector<16xi32>
    %add3A_89 = arith.constant 0 : i32
    %add3A_90 = vector.broadcast %add3A_89 : i32 to vector<16xi32>
    %add3A_91 = arith.addi %iota3A, %add3A_90 : vector<16xi32>
    %add3A_92 = arith.constant 16 : i32
    %add3A_93 = vector.broadcast %add3A_92 : i32 to vector<16xi32>
    %add3A_94 = arith.addi %iota3A, %add3A_93 : vector<16xi32>
    %add3A_95 = arith.constant 32 : i32
    %add3A_96 = vector.broadcast %add3A_95 : i32 to vector<16xi32>
    %add3A_97 = arith.addi %iota3A, %add3A_96 : vector<16xi32>
    %add3A_98 = arith.constant 48 : i32
    %add3A_99 = vector.broadcast %add3A_98 : i32 to vector<16xi32>
    %add3A_100 = arith.addi %iota3A, %add3A_99 : vector<16xi32>
    %parallel_loop3A = arith.constant 0 : i32
    %parallel_loop3A_101 = arith.constant 512 : i32
    %parallel_loop3A_102 = arith.constant 4 : i32
    scf.for %parallel_loop3A_123 = %parallel_loop3A to %parallel_loop3A_101 step %parallel_loop3A_102  : i32 {
      %parallel_loop3A_124 = arith.constant 0 : i32
      %parallel_loop3A_125 = arith.addi %parallel_loop3A_123, %parallel_loop3A_124 : i32
      %parallel_loop3A_126 = arith.constant 0 : i32
      %parallel_loop3A_127 = vector.broadcast %parallel_loop3A_126 : i32 to vector<16xi32>
      %parallel_loop3A_128 = vector.broadcast %parallel_loop3A_125 : i32 to vector<16xi32>
      %parallel_loop3A_129 = arith.addi %parallel_loop3A_127, %parallel_loop3A_128 : vector<16xi32>
      %parallel_loop3A_130 = arith.index_cast %parallel_loop3A_125 : i32 to index
      %parallel_loop3A_131 = arith.constant 0 : index
      %parallel_loop3A_132 = tpu.vector_load %arg6[%parallel_loop3A_130, %parallel_loop3A_131] {strides = array<i32>} : memref<512x64xf32, #tpu.memory_space<vmem>>, vector<16xf32>,
      tpu.vector_store_idx %arg7[%add3A_91, %parallel_loop3A_129], %parallel_loop3A_132 : memref<64x513xf32, #tpu.memory_space<vmem>>[vector<16xi32>, vector<16xi32>], vector<16xf32>,
      %parallel_loop3A_133 = arith.index_cast %parallel_loop3A_125 : i32 to index
      %parallel_loop3A_134 = arith.constant 16 : index
      %parallel_loop3A_135 = tpu.vector_load %arg6[%parallel_loop3A_133, %parallel_loop3A_134] {strides = array<i32>} : memref<512x64xf32, #tpu.memory_space<vmem>>, vector<16xf32>,
      tpu.vector_store_idx %arg7[%add3A_94, %parallel_loop3A_129], %parallel_loop3A_135 : memref<64x513xf32, #tpu.memory_space<vmem>>[vector<16xi32>, vector<16xi32>], vector<16xf32>,
      %parallel_loop3A_136 = arith.index_cast %parallel_loop3A_125 : i32 to index
      %parallel_loop3A_137 = arith.constant 32 : index
      %parallel_loop3A_138 = tpu.vector_load %arg6[%parallel_loop3A_136, %parallel_loop3A_137] {strides = array<i32>} : memref<512x64xf32, #tpu.memory_space<vmem>>, vector<16xf32>,
      tpu.vector_store_idx %arg7[%add3A_97, %parallel_loop3A_129], %parallel_loop3A_138 : memref<64x513xf32, #tpu.memory_space<vmem>>[vector<16xi32>, vector<16xi32>], vector<16xf32>,
      %parallel_loop3A_139 = arith.index_cast %parallel_loop3A_125 : i32 to index
      %parallel_loop3A_140 = arith.constant 48 : index
      %parallel_loop3A_141 = tpu.vector_load %arg6[%parallel_loop3A_139, %parallel_loop3A_140] {strides = array<i32>} : memref<512x64xf32, #tpu.memory_space<vmem>>, vector<16xf32>,
      tpu.vector_store_idx %arg7[%add3A_100, %parallel_loop3A_129], %parallel_loop3A_141 : memref<64x513xf32, #tpu.memory_space<vmem>>[vector<16xi32>, vector<16xi32>], vector<16xf32>,
      %parallel_loop3A_142 = arith.constant 1 : i32
      %parallel_loop3A_143 = arith.addi %parallel_loop3A_123, %parallel_loop3A_142 : i32
      %parallel_loop3A_144 = arith.constant 0 : i32
      %parallel_loop3A_145 = vector.broadcast %parallel_loop3A_144 : i32 to vector<16xi32>
      %parallel_loop3A_146 = vector.broadcast %parallel_loop3A_143 : i32 to vector<16xi32>
      %parallel_loop3A_147 = arith.addi %parallel_loop3A_145, %parallel_loop3A_146 : vector<16xi32>
      %parallel_loop3A_148 = arith.index_cast %parallel_loop3A_143 : i32 to index
      %parallel_loop3A_149 = arith.constant 0 : index
      %parallel_loop3A_150 = tpu.vector_load %arg6[%parallel_loop3A_148, %parallel_loop3A_149] {strides = array<i32>} : memref<512x64xf32, #tpu.memory_space<vmem>>, vector<16xf32>,
      tpu.vector_store_idx %arg7[%add3A_91, %parallel_loop3A_147], %parallel_loop3A_150 : memref<64x513xf32, #tpu.memory_space<vmem>>[vector<16xi32>, vector<16xi32>], vector<16xf32>,
      %parallel_loop3A_151 = arith.index_cast %parallel_loop3A_143 : i32 to index
      %parallel_loop3A_152 = arith.constant 16 : index
      %parallel_loop3A_153 = tpu.vector_load %arg6[%parallel_loop3A_151, %parallel_loop3A_152] {strides = array<i32>} : memref<512x64xf32, #tpu.memory_space<vmem>>, vector<16xf32>,
      tpu.vector_store_idx %arg7[%add3A_94, %parallel_loop3A_147], %parallel_loop3A_153 : memref<64x513xf32, #tpu.memory_space<vmem>>[vector<16xi32>, vector<16xi32>], vector<16xf32>,
      %parallel_loop3A_154 = arith.index_cast %parallel_loop3A_143 : i32 to index
      %parallel_loop3A_155 = arith.constant 32 : index
      %parallel_loop3A_156 = tpu.vector_load %arg6[%parallel_loop3A_154, %parallel_loop3A_155] {strides = array<i32>} : memref<512x64xf32, #tpu.memory_space<vmem>>, vector<16xf32>,
      tpu.vector_store_idx %arg7[%add3A_97, %parallel_loop3A_147], %parallel_loop3A_156 : memref<64x513xf32, #tpu.memory_space<vmem>>[vector<16xi32>, vector<16xi32>], vector<16xf32>,
      %parallel_loop3A_157 = arith.index_cast %parallel_loop3A_143 : i32 to index
      %parallel_loop3A_158 = arith.constant 48 : index
      %parallel_loop3A_159 = tpu.vector_load %arg6[%parallel_loop3A_157, %parallel_loop3A_158] {strides = array<i32>} : memref<512x64xf32, #tpu.memory_space<vmem>>, vector<16xf32>,
      tpu.vector_store_idx %arg7[%add3A_100, %parallel_loop3A_147], %parallel_loop3A_159 : memref<64x513xf32, #tpu.memory_space<vmem>>[vector<16xi32>, vector<16xi32>], vector<16xf32>,
      %parallel_loop3A_160 = arith.constant 2 : i32
      %parallel_loop3A_161 = arith.addi %parallel_loop3A_123, %parallel_loop3A_160 : i32
      %parallel_loop3A_162 = arith.constant 0 : i32
      %parallel_loop3A_163 = vector.broadcast %parallel_loop3A_162 : i32 to vector<16xi32>
      %parallel_loop3A_164 = vector.broadcast %parallel_loop3A_161 : i32 to vector<16xi32>
      %parallel_loop3A_165 = arith.addi %parallel_loop3A_163, %parallel_loop3A_164 : vector<16xi32>
      %parallel_loop3A_166 = arith.index_cast %parallel_loop3A_161 : i32 to index
      %parallel_loop3A_167 = arith.constant 0 : index
      %parallel_loop3A_168 = tpu.vector_load %arg6[%parallel_loop3A_166, %parallel_loop3A_167] {strides = array<i32>} : memref<512x64xf32, #tpu.memory_space<vmem>>, vector<16xf32>,
      tpu.vector_store_idx %arg7[%add3A_91, %parallel_loop3A_165], %parallel_loop3A_168 : memref<64x513xf32, #tpu.memory_space<vmem>>[vector<16xi32>, vector<16xi32>], vector<16xf32>,
      %parallel_loop3A_169 = arith.index_cast %parallel_loop3A_161 : i32 to index
      %parallel_loop3A_170 = arith.constant 16 : index
      %parallel_loop3A_171 = tpu.vector_load %arg6[%parallel_loop3A_169, %parallel_loop3A_170] {strides = array<i32>} : memref<512x64xf32, #tpu.memory_space<vmem>>, vector<16xf32>,
      tpu.vector_store_idx %arg7[%add3A_94, %parallel_loop3A_165], %parallel_loop3A_171 : memref<64x513xf32, #tpu.memory_space<vmem>>[vector<16xi32>, vector<16xi32>], vector<16xf32>,
      %parallel_loop3A_172 = arith.index_cast %parallel_loop3A_161 : i32 to index
      %parallel_loop3A_173 = arith.constant 32 : index
      %parallel_loop3A_174 = tpu.vector_load %arg6[%parallel_loop3A_172, %parallel_loop3A_173] {strides = array<i32>} : memref<512x64xf32, #tpu.memory_space<vmem>>, vector<16xf32>,
      tpu.vector_store_idx %arg7[%add3A_97, %parallel_loop3A_165], %parallel_loop3A_174 : memref<64x513xf32, #tpu.memory_space<vmem>>[vector<16xi32>, vector<16xi32>], vector<16xf32>,
      %parallel_loop3A_175 = arith.index_cast %parallel_loop3A_161 : i32 to index
      %parallel_loop3A_176 = arith.constant 48 : index
      %parallel_loop3A_177 = tpu.vector_load %arg6[%parallel_loop3A_175, %parallel_loop3A_176] {strides = array<i32>} : memref<512x64xf32, #tpu.memory_space<vmem>>, vector<16xf32>,
      tpu.vector_store_idx %arg7[%add3A_100, %parallel_loop3A_165], %parallel_loop3A_177 : memref<64x513xf32, #tpu.memory_space<vmem>>[vector<16xi32>, vector<16xi32>], vector<16xf32>,
      %parallel_loop3A_178 = arith.constant 3 : i32
      %parallel_loop3A_179 = arith.addi %parallel_loop3A_123, %parallel_loop3A_178 : i32
      %parallel_loop3A_180 = arith.constant 0 : i32
      %parallel_loop3A_181 = vector.broadcast %parallel_loop3A_180 : i32 to vector<16xi32>
      %parallel_loop3A_182 = vector.broadcast %parallel_loop3A_179 : i32 to vector<16xi32>
      %parallel_loop3A_183 = arith.addi %parallel_loop3A_181, %parallel_loop3A_182 : vector<16xi32>
      %parallel_loop3A_184 = arith.index_cast %parallel_loop3A_179 : i32 to index
      %parallel_loop3A_185 = arith.constant 0 : index
      %parallel_loop3A_186 = tpu.vector_load %arg6[%parallel_loop3A_184, %parallel_loop3A_185] {strides = array<i32>} : memref<512x64xf32, #tpu.memory_space<vmem>>, vector<16xf32>,
      tpu.vector_store_idx %arg7[%add3A_91, %parallel_loop3A_183], %parallel_loop3A_186 : memref<64x513xf32, #tpu.memory_space<vmem>>[vector<16xi32>, vector<16xi32>], vector<16xf32>,
      %parallel_loop3A_187 = arith.index_cast %parallel_loop3A_179 : i32 to index
      %parallel_loop3A_188 = arith.constant 16 : index
      %parallel_loop3A_189 = tpu.vector_load %arg6[%parallel_loop3A_187, %parallel_loop3A_188] {strides = array<i32>} : memref<512x64xf32, #tpu.memory_space<vmem>>, vector<16xf32>,
      tpu.vector_store_idx %arg7[%add3A_94, %parallel_loop3A_183], %parallel_loop3A_189 : memref<64x513xf32, #tpu.memory_space<vmem>>[vector<16xi32>, vector<16xi32>], vector<16xf32>,
      %parallel_loop3A_190 = arith.index_cast %parallel_loop3A_179 : i32 to index
      %parallel_loop3A_191 = arith.constant 32 : index
      %parallel_loop3A_192 = tpu.vector_load %arg6[%parallel_loop3A_190, %parallel_loop3A_191] {strides = array<i32>} : memref<512x64xf32, #tpu.memory_space<vmem>>, vector<16xf32>,
      tpu.vector_store_idx %arg7[%add3A_97, %parallel_loop3A_183], %parallel_loop3A_192 : memref<64x513xf32, #tpu.memory_space<vmem>>[vector<16xi32>, vector<16xi32>], vector<16xf32>,
      %parallel_loop3A_193 = arith.index_cast %parallel_loop3A_179 : i32 to index
      %parallel_loop3A_194 = arith.constant 48 : index
      %parallel_loop3A_195 = tpu.vector_load %arg6[%parallel_loop3A_193, %parallel_loop3A_194] {strides = array<i32>} : memref<512x64xf32, #tpu.memory_space<vmem>>, vector<16xf32>,
      tpu.vector_store_idx %arg7[%add3A_100, %parallel_loop3A_183], %parallel_loop3A_195 : memref<64x513xf32, #tpu.memory_space<vmem>>[vector<16xi32>, vector<16xi32>], vector<16xf32>,
    } {sc.loop_unroll_factor = 2 : i64, sc.parallel_access}
    %dma_start3A_103 = arith.constant 0 : i32
    %dma_start3A_104 = arith.constant 0 : i32
    %dma_start3A_105 = tpu.memref_slice %arg7[%dma_start3A_103, %dma_start3A_104] : memref<64x513xf32, #tpu.memory_space<vmem>> -> memref<64x512xf32, #tpu.memory_space<vmem>>
    %dma_start3A_106 = arith.constant 0 : i32
    %dma_start3A_107 = tpu.memref_slice %arg4[%dma_start3A_106, %mul3A_2] : memref<64x16384xf32, #tpu.memory_space<hbm>> -> memref<64x512xf32, #tpu.memory_space<hbm>>
    %dma_start3A_108 = arith.constant 0 : i32
    %dma_start3A_109 = tpu.memref_slice %arg4[%dma_start3A_108, %mul3A_2] : memref<64x16384xf32, #tpu.memory_space<hbm>> -> memref<64x512xf32, #tpu.memory_space<hbm>>
    %dma_start3A_110 = arith.constant 0 : i32
    %dma_start3A_111 = arith.constant 0 : i32
    %dma_start3A_112 = tpu.memref_slice %arg7[%dma_start3A_110, %dma_start3A_111] : memref<64x513xf32, #tpu.memory_space<vmem>> -> memref<64x512xf32, #tpu.memory_space<vmem>>
    tpu.enqueue_dma source(%dma_start3A_112 : memref<64x512xf32, #tpu.memory_space<vmem>>) target(%dma_start3A_109 : memref<64x512xf32, #tpu.memory_space<hbm>>) target_semaphore(%arg9 : memref<!tpu.dma_semaphore, #tpu.memory_space<semaphore_mem>>)
    %dma_wait3A_113 = arith.constant 0 : i32
    %dma_wait3A_114 = arith.constant 0 : i32
    %dma_wait3A_115 = tpu.memref_slice %arg7[%dma_wait3A_113, %dma_wait3A_114] : memref<64x513xf32, #tpu.memory_space<vmem>> -> memref<64x512xf32, #tpu.memory_space<vmem>>
    %dma_wait3A_116 = arith.constant 0 : i32
    %dma_wait3A_117 = tpu.memref_slice %arg4[%dma_wait3A_116, %mul3A_2] : memref<64x16384xf32, #tpu.memory_space<hbm>> -> memref<64x512xf32, #tpu.memory_space<hbm>>
    %dma_wait3A_118 = arith.constant 0 : i32
    %dma_wait3A_119 = tpu.memref_slice %arg4[%dma_wait3A_118, %mul3A_2] : memref<64x16384xf32, #tpu.memory_space<hbm>> -> memref<64x512xf32, #tpu.memory_space<hbm>>
    %dma_wait3A_120 = arith.constant 0 : i32
    %dma_wait3A_121 = arith.constant 0 : i32
    %dma_wait3A_122 = tpu.memref_slice %arg7[%dma_wait3A_120, %dma_wait3A_121] : memref<64x513xf32, #tpu.memory_space<vmem>> -> memref<64x512xf32, #tpu.memory_space<vmem>>
    tpu.wait_dma2 semaphore(%arg9 : memref<!tpu.dma_semaphore, #tpu.memory_space<semaphore_mem>>) src(%dma_wait3A_122 : memref<64x512xf32, #tpu.memory_space<vmem>>) dst(%dma_wait3A_119 : memref<64x512xf32, #tpu.memory_space<hbm>>)
    return
  }
}

</mosaic_0001>

<sc_bundles>
// kernel: _gather_t.3.cloned.1.call-start
scs
__scs_entry_jumppad:
0x0: {  	(pc) =	sbr.rel $0x88, $3  }
0x1: {  	(tag) =	ssettag $0x0;
	lr =	simm.s32 $0x1  }
0x2: {  	[smem:$0x3F9F] =	sst lr;
	_ =	strace $0xD0000000  }
0x3: {  	_ = 	snop  }
0x4: {  	_ = 	snop  }
0x5: {  	_ = 	snop  }
0x6: {  	_ = 	snop  }
0x7: {  	_ = 	snop  }
__scs_overlays_trampoline_lowered:
0x8: {  	[smem:$0x3FAE] =	sst s0  }
0x9: {  	[smem:$0x3FAF] =	sst s1  }
0xa: {  	[smem:$0x3FB0] =	sst s2  }
0xb: {  	[smem:$0x3FB1] =	sst s3  }
0xc: {  	[smem:$0x3FB2] =	sst s4  }
0xd: {  	[smem:$0x3FB3] =	sst s5  }
0xe: {  	[smem:$0x3FB4] =	sst s6  }
0xf: {  	[smem:$0x3FB5] =	sst s7  }
0x10: {  	[smem:$0x3FB6] =	sst s8  }
0x11: {  	[smem:$0x3FB7] =	sst s9;
	s0 =	simm.s32 @!p0 $0x0  }
0x12: {  	s1 =	sld [smem:$0x3F9D];
	s0 =	simm.s32 @p0 $0x1  }
0x13: {  	[smem:$0x3FB8] =	sst s0;
	s0 =	simm.s32 @!p1 $0x0  }
0x14: {  	s2 =	sld [smem:$0x3F9C];
	s0 =	simm.s32 @p1 $0x1  }
0x15: {  	[smem:$0x3FB9] =	sst s0;
	s0 =	simm.s32 @!p2 $0x0  }
0x16: {  	s3 =	sld [smem:$0x3FDB];
	s0 =	simm.s32 @p2 $0x1  }
0x17: {  	s4 =	simm.s32 $0x1BF5;
	[smem:$0x3FBB] =	sst s0  }
0x18: {  	s0 =	sld [smem:$0x3F9E];
	_ =	swait.ge [sflag:s4], $0x0  }
0x19: {  	s7 =	sld [smem:$0x3F9F]  }
0x1a: {  	s8 =	sadd.s32 $0xFFFFE003, lr  }
0x1b: {  	s9 =	sadd.s32 $0xFFFFFEF7, lr;
	s5 =	simm.s32 $0xFFFFFFFF;
	p2 =	slt.u32 s8, $0xFFFFF086  }
0x1c: {  	p1 =	slt.u32 s9, $0xF7A;
	s5 =	simm.s32 @!p2 $0x0  }
0x1d: {  	s5 =	simm.s32 @p1 $0x1;
	p0 =	seq.s32 s7, s2  }
0x1e: {  	s7 =	smul.u32 @!p0 $0xF7A, s2;
	p2 =	seq.s32 @!p0 s5, $0x0  }
0x1f: {  	s9 =	smul.u32 $0xF7A, s1;
	s8 =	simm.s32 @!p0 $0x1BF5;
	p2 =	por !p2, p0  }
0x20: {  	[sflag:s8] =	ssyncset.s32 @!p0 $0xFFFFF086;
	s6 =	sadd.s32 @!p0 s3, s7;
	s7 =	simm.s32 @!p0 $0x108  }
0x21: {  	s3 =	sadd.s32 s3, s9;
	s6 =	sadd.s32 @!p0 $0x88, s6;
	s7 =	simm.s32 @p2 $0x1082  }
0x22: {  	[simem:s7], [sflag:s8] =	dma.local @!p0 [hbm:s6], $0xF7A  }
0x23: {  	s9 =	sor.u32 $0xD0000000, s2;
	s6 =	simm.s32 $0x108;
	_ =	swait.ge @!p0 [sflag:s8], $0x0  }
0x24: {  	s3 =	sadd.s32 $0x88, s3;
	s6 =	simm.s32 @!p1 $0x1082;
	[sflag:s4] =	ssyncset.s32 $0xFFFFF086  }
0x25: {  	[simem:s6], [sflag:s4] =	dma.local [hbm:s3], $0xF7A  }
0x26: {  	[smem:$0x3F9F] =	sst s1;
	(tag) =	ssettag s2;
	_ =	strace s9  }
0x27: {  	s1 =	sld [smem:$0x3FAF]  }
0x28: {  	s2 =	sld [smem:$0x3FB0]  }
0x29: {  	s4 =	sld [smem:$0x3FB2]  }
0x2a: {  	p0 =	seq.s32 s5, $0x0;
	s5 =	sld [smem:$0x3FB3]  }
0x2b: {  	s6 =	sld [smem:$0x3FB4]  }
0x2c: {  	s7 =	sld [smem:$0x3FB5]  }
0x2d: {  	s3 =	simm.s32 $0x108;
	s8 =	sld [smem:$0x3FB6]  }
0x2e: {  	s3 =	simm.s32 @!p0 $0x1082;
	s9 =	sld [smem:$0x3FB7]  }
0x2f: {  	lr =	sadd.s32 s0, s3;
	s0 =	sld [smem:$0x3FAE]  }
0x30: {  	s3 =	sld [smem:$0x3FB1]  }
0x31: {  	[smem:$0x3FBA] =	sst s10  }
0x32: {  	s10 =	sld [smem:$0x3FB8];
	_ =	sdelay $0x3  }
0x33: {  	p0 =	seq.s32 s10, $0x1;
	s10 =	sld [smem:$0x3FBA];
	_ =	sdelay $0x3  }
0x34: {  	[smem:$0x3FBA] =	sst s10  }
0x35: {  	s10 =	sld [smem:$0x3FB9];
	_ =	sdelay $0x3  }
0x36: {  	p1 =	seq.s32 s10, $0x1;
	s10 =	sld [smem:$0x3FBA];
	_ =	sdelay $0x3  }
0x37: {  	[smem:$0x3FBA] =	sst s10  }
0x38: {  	s10 =	sld [smem:$0x3FBB]  }
0x39: {  	_ = 	snop;
	(pc) =	sbr.ind lr, $3  }
0x3a: {  	_ = 	snop  }
0x3b: {  	_ = 	snop  }
0x3c: {  	p2 =	seq.s32 s10, $0x1;
	s10 =	sld [smem:$0x3FBA]  }
0x3d: {  	_ =	shalt  }
0x3e: {  	_ =	shalt  }
0x3f: {  	_ =	shalt  }
0x40: {  	_ =	shalt  }
0x41: {  	_ =	shalt  }
0x42: {  	_ =	shalt  }
0x43: {  	_ =	shalt  }
0x44: {  	_ =	shalt  }
0x45: {  	_ =	shalt  }
0x46: {  	_ =	shalt  }
0x47: {  	_ =	shalt  }
0x48: {  	_ =	shalt  }
0x49: {  	_ =	shalt  }
0x4a: {  	_ =	shalt  }
0x4b: {  	_ =	shalt  }
0x4c: {  	_ =	shalt  }
0x4d: {  	_ =	shalt  }
0x4e: {  	_ =	shalt  }
0x4f: {  	_ =	shalt  }
0x50: {  	_ =	shalt  }
0x51: {  	_ =	shalt  }
0x52: {  	_ =	shalt  }
0x53: {  	_ =	shalt  }
0x54: {  	_ =	shalt  }
0x55: {  	_ =	shalt  }
0x56: {  	_ =	shalt  }
0x57: {  	_ =	shalt  }
0x58: {  	_ =	shalt  }
0x59: {  	_ =	shalt  }
0x5a: {  	_ =	shalt  }
0x5b: {  	_ =	shalt  }
0x5c: {  	_ =	shalt  }
0x5d: {  	_ =	shalt  }
0x5e: {  	_ =	shalt  }
0x5f: {  	_ =	shalt  }
0x60: {  	_ =	shalt  }
0x61: {  	_ =	shalt  }
0x62: {  	_ =	shalt  }
0x63: {  	_ =	shalt  }
0x64: {  	_ =	shalt  }
0x65: {  	_ =	shalt  }
0x66: {  	_ =	shalt  }
0x67: {  	_ =	shalt  }
0x68: {  	_ =	shalt  }
0x69: {  	_ =	shalt  }
0x6a: {  	_ =	shalt  }
0x6b: {  	_ =	shalt  }
0x6c: {  	_ =	shalt  }
0x6d: {  	_ =	shalt  }
0x6e: {  	_ =	shalt  }
0x6f: {  	_ =	shalt  }
0x70: {  	_ =	shalt  }
0x71: {  	_ =	shalt  }
0x72: {  	_ =	shalt  }
0x73: {  	_ =	shalt  }
0x74: {  	_ =	shalt  }
0x75: {  	_ =	shalt  }
0x76: {  	_ =	shalt  }
0x77: {  	_ =	shalt  }
0x78: {  	_ =	shalt  }
0x79: {  	_ =	shalt  }
0x7a: {  	_ =	shalt  }
0x7b: {  	_ =	shalt  }
0x7c: {  	_ =	shalt  }
0x7d: {  	_ =	shalt  }
0x7e: {  	_ =	shalt  }
0x7f: {  	_ =	shalt  }
0x80: {  	_ =	shalt  }
0x81: {  	_ =	shalt  }
0x82: {  	_ =	shalt  }
0x83: {  	_ =	shalt  }
0x84: {  	_ =	shalt  }
0x85: {  	_ =	shalt  }
0x86: {  	_ =	shalt  }
0x87: {  	_ =	shalt  }
.Lfunc_end0:
.L_simem_size_0:
called_computation_lowered:
.L_overlay_start_0:
0x88: {  	s2 =	sld [smem:$0x3FD9]  }
0x89: {  	s3 =	sld [smem:$0x3FFE];
	_ =	sdelay $0x1  }
0x8a: {  	s1 =	srdreg.scid  }
0x8b: {  	s0 =	sand.u32 $0x1, s1  }
0x8c: {  	s17 =	sshll.u32 s0, $0xA;
	s2 =	sadd.s32 s3, s2  }
0x8d: {  	s2 =	sadd.s32 s2, s17  }
0x8e: {  	[smem:$0x3FC6] =	sst s2  }
0x8f: {  	_ = 	snop  }
0x90: {  	s2 =	sld [smem:$0x3FC9]  }
0x91: {  	s18 =	sld [smem:$0x3FD0];
	(tm) =	ssettm $0x1  }
0x92: {  	s4 =	sld [smem:$0x3FFB];
	_ =	sdelay $0x3  }
0x93: {  	_ =	strace s4  }
0x94: {  	s4 =	sld [smem:$0x3FFC];
	_ =	sdelay $0x3  }
0x95: {  	_ =	strace s4  }
0x96: {  	s4 =	sld [smem:$0x3FFD];
	_ =	sdelay $0x3  }
0x97: {  	_ =	strace s4  }
0x98: {  	_ =	strace $0x8FFFFFFF  }
0x99: {  	s19 =	sld [smem:$0x3FDB];
	_ =	sdelay $0x1  }
0x9a: {  	s5 =	simm.s32 $_scs_section_size  }
0x9b: {  	s6 =	simm.s32 $_size__tile_overlayer_lowered;
	s7 =	simm.s32 $_tile_overlayer_lowered  }
0x9c: {  	s22 =	simm.s32 $0x1BFF;
	s21 =	sshll.u32 s7, $0x1;
	s4 =	sadd.s32 s5, s19  }
0x9d: {  	s8 =	simm.s32 $0x0;
	s20 =	sshll.u32 s6, $0x1;
	s6 =	sadd.s32 s21, s4  }
0x9e: {  	[timem:s8], [sflag:s22] =	dma.local [hbm:s6], s20  }
0x9f: {  	_ =	swait.ge [sflag:s22], s20  }
0xa0: {  	s5 =	ssub.s32 $0x0, s20;
	[sflag:s22] =	ssyncset.done $0x0  }
0xa1: {  	[sflag:s22] =	ssyncadd.s32 s5;
	_ =	sdelay $0x1  }
0xa2: {  	s23 =	simm.s32 $0x1B8B  }
0xa3: {  	_ =	swait.ge [sflag:s23], $0x1  }
0xa4: {  	[sflag:s23] =	ssyncset.done $0x0  }
0xa5: {  	s25 =	simm.s32 $0x1B8E;
	s24 =	sld [smem:$0x3FFE];
	[sflag:s23] =	ssyncadd.s32 $0xFFFFFFFF  }
0xa6: {  	s26 =	simm.s32 $execute0_lowered;
	[smem:$0x3FD2] =	sst s25  }
0xa7: {  	s6 =	sshll.u32 s26, $0x1;
	_ =	strace $0x80000046;
	[dreg:$0x1] =	wrdreg $0xFFFFFFFF  }
0xa8: {  	s28 =	simm.s32 $_size_execute0_lowered;
	s4 =	sadd.s32 s4, s6;
	[dreg:$0x0] =	wrdreg $0x0  }
0xa9: {  	s6 =	sshll.u32 s28, $0x1;
	[dreg:$0x2] =	wrdreg s4  }
0xaa: {  	[dreg:$0x3] =	wrdreg s6  }
0xab: {  	[dreg:$0x4] =	wrdreg $0xC0  }
0xac: {  	_ =	task [dreg:s8], $0x5FFFF  }
0xad: {  	[dreg:$0x1] =	wrdreg $0xFFFFFFFF  }
0xae: {  	[dreg:$0x0] =	wrdreg $0x60  }
0xaf: {  	[dreg:$0x2] =	wrdreg s18  }
0xb0: {  	[dreg:$0x3] =	wrdreg s2  }
0xb1: {  	[dreg:$0x4] =	wrdreg s24  }
0xb2: {  	[dreg:$0x5] =	wrdreg $0x9  }
0xb3: {  	_ =	task.clear_ibuf [dreg:s8], $0x6FFFF;
	_ =	strace $0x90000046  }
0xb4: {  	s29 =	simm.s32 $0x9;
	_ =	strace $0x80000048  }
0xb5: {  	_ =	swait.ge [sflag:s29], $0x1  }
0xb6: {  	[sflag:s29] =	ssyncadd.s32 $0xFFFFFFFF  }
0xb7: {  	_ =	strace $0x90000048  }
0xb8: {  	_ =	sfence  }
0xb9: {  	s30 =	sld [smem:$0x0];
	_ =	sdelay $0x2  }
0xba: {  	s31 =	sshll.u32 s1, $0xD;
	s1 =	sshrl.u32 s1, $0x2  }
0xbb: {  	s3 =	sand.u32 $0x4000, s31;
	s1 =	sadd.s32 s1, s30  }
0xbc: {  	s0 =	sor.u32 s3, s0;
	s1 =	sshll.u32 s1, $0x11  }
0xbd: {  	s0 =	sor.u32 s1, s0  }
0xbe: {  	s0 =	sadd.s32 $0x8F2B, s0  }
0xbf: {  	[sflag:s0] =	ssyncadd.remote.s32 $0x1  }
0xc0: {  	_ =	sfence.sel $0xFFFF  }
0xc1: {  	[dreg:$0x0] =	wrdreg $0xFFFFFFFF;
	(pc) =	sbr.abs _section_cstart, $3  }
0xc2: {  	[dreg:$0x1] =	wrdreg $0xFFFFFFFF  }
0xc3: {  	_ =	task.clear_ibuf [dreg:s8], $0x2FFFF;
	_ =	strace $0x9FFFFFFF  }
0xc4: {  	(tm) =	ssettm $0x7FFFFFFF  }
0xc5: {  	_ =	shalt  }
tec
execute0_lowered:
.L_overlay_start_1:
0x0: {  	(tag) =	ssettag $0x1  }
0x1: {  	s0 =	rddreg [dreg:$0x0];
	v0 =	vlaneseq.u32  }
0x2: {  	s4 =	rddreg [dreg:$0x1];
	v0 =	vmul.u32 $0x208, v0  }
0x3: {  	s5 =	rddreg [dreg:$0x2];
	v1 =	vimm.s32 $0x0;
	vm0 =	vcmask $0x300  }
0x4: {  	s1 =	rddreg [dreg:$0x3];
	s6 =	srdreg.scid;
	v1 =	vsel vm0, $0x3, v1;
	v2 =	vadd.s32 $0x2080, v0  }
0x5: {  	s3 =	simm.s32 $0x0;
	s2 =	stileid.u32;
	s9 =	simm.s32 $0x200;
	v3 =	vadd.s32 $0x4100, v0;
	v4 =	vadd.s32 $0x6180, v0;
	v5 =	vor.u32 $0x1, v0  }
0x6: {  	s10 =	simm.s32 $0x2200;
	s11 =	simm.s32 $0x100;
	s12 =	simm.s32 $0x4200;
	v6 =	vadd.s32 $0x2081, v0;
	v7 =	vadd.s32 $0x4101, v0;
	v8 =	vadd.s32 $0x6181, v0  }
0x7: {  	s13 =	simm.s32 $0x180;
	s14 =	simm.s32 $0x6200;
	s15 =	simm.s32 $0x1;
	v9 =	vor.u32 $0x2, v0;
	v10 =	vadd.s32 $0x2082, v0;
	v11 =	vadd.s32 $0x4102, v0  }
0x8: {  	s16 =	simm.s32 $0x2;
	s17 =	simm.s32 $0x3;
	s18 =	simm.s32 $0x4;
	v12 =	vadd.s32 $0x6182, v0;
	v13 =	vor.u32 $0x3, v0;
	v14 =	vadd.s32 $0x2083, v0  }
0x9: {  	s19 =	simm.s32 $0x8200;
	s20 =	simm.s32 $0x5;
	s21 =	simm.s32 $0x0;
	v15 =	vadd.s32 $0x4103, v0;
	v16 =	vadd.s32 $0x6183, v0;
	v17 =	vor.u32 $0x4, v0  }
0xa: {  	s6 =	sand.u32 $0x1, s6;
	s7 =	sshll.u32 s2, $0x7;
	[smem:$0x7FF] =	sst s3;
	v18 =	vadd.s32 $0x2084, v0;
	v19 =	vadd.s32 $0x4104, v0;
	v20 =	vadd.s32 $0x6184, v0  }
0xb: {  	s8 =	sshll.u32 s6, $0x6;
	s6 =	ssub.s32 $0x2, s6;
	_ =	strace $0x80000047;
	v21 =	vor.u32 $0x5, v0;
	v22 =	vadd.s32 $0x2085, v0;
	v23 =	vadd.s32 $0x4105, v0  }
0xc: {  	s7 =	sor.u32 s8, s7;
	s31 =	sshrl.u32 s6, $0x1;
	s8 =	simm.s32 $0x80;
	v24 =	vadd.s32 $0x6185, v0;
	v25 =	vor.u32 $0x6, v0;
	v26 =	vadd.s32 $0x2086, v0  }
0xd: {  	v27 =	vadd.s32 $0x4106, v0;
	v28 =	vadd.s32 $0x6186, v0;
	v29 =	vor.u32 $0x7, v0;
	s5 =	sadd.s32 s7, s5;
	s6 =	ssub.s32 s6, s31;
	s4 =	sadd.s32 s4, s7  }
0xe: {  	v30 =	vadd.s32 $0x2087, v0;
	v31 =	vadd.s32 $0x4107, v0;
	v32 =	vadd.s32 $0x6187, v0;
	s7 =	simm.s32 $0x6;
	s5 =	sadd.s32 $0x400, s5;
	s6 =	smax.u32 s6, $0x1  }
.LBB2_1:
0xf: {  	[tilespmem:s3], [sflag:$0x6] =	stream.linear.gather [hbm4b:s4+s3], $0x200, $0x38;
	[tilespmem:$0x10400] =	vst v63  }
0x10: {  	_ =	swait.ge [sflag:s7], $0x200  }
0x11: {  	[sflag:s7] =	ssyncset.done $0x0  }
0x12: {  	[sflag:s7] =	ssyncadd.s32 $0xFFFFFE00  }
0x13: {  	[tilespmem:s9], [sflag:$0x1] =	stream.indirect.gather [hbm4b:s0+s8], $0x40, s3, s8, $0xb8;
	[tilespmem:$0x10400] =	vst v63  }
0x14: {  	_ = 	snop  }
0x15: {  	[tilespmem:s10], [sflag:$0x2] =	stream.indirect.gather [hbm4b:s0+s8], $0x40, s8, s8, $0xb8;
	[tilespmem:$0x10400] =	vst v63  }
0x16: {  	_ = 	snop  }
0x17: {  	[tilespmem:s12], [sflag:$0x3] =	stream.indirect.gather [hbm4b:s0+s8], $0x40, s11, s8, $0xb8;
	[tilespmem:$0x10400] =	vst v63  }
0x18: {  	_ = 	snop  }
0x19: {  	[tilespmem:s14], [sflag:$0x4] =	stream.indirect.gather [hbm4b:s0+s8], $0x40, s13, s8, $0xb8;
	[tilespmem:$0x10400] =	vst v63  }
0x1a: {  	_ =	swait.ge [sflag:s15], $0x2000  }
0x1b: {  	[sflag:s15] =	ssyncset.done $0x0  }
0x1c: {  	[sflag:s15] =	ssyncadd.s32 $0xFFFFE000  }
0x1d: {  	_ =	swait.ge [sflag:s16], $0x2000  }
0x1e: {  	[sflag:s16] =	ssyncset.done $0x0  }
0x1f: {  	[sflag:s16] =	ssyncadd.s32 $0xFFFFE000  }
0x20: {  	s22 =	simm.s32 $0x4;
	_ =	swait.ge [sflag:s17], $0x2000  }
0x21: {  	v33 =	vmov s22;
	[sflag:s17] =	ssyncset.done $0x0  }
0x22: {  	v34 =	vmov s3;
	v33 =	vshrl.u32 v33, $0x3;
	[sflag:s17] =	ssyncadd.s32 $0xFFFFE000  }
0x23: {  	v34 =	vshrl.u32 v34, $0x3;
	v33 =	vshll.u32 v33, v1;
	_ =	swait.ge [sflag:s18], $0x2000  }
0x24: {  	v34 =	vshll.u32 v34, v1;
	v33 =	vbroadcast v33, $0x0;
	[sflag:s18] =	ssyncset.done $0x0  }
0x25: {  	s23 =	simm.s32 $0x300;
	v34 =	vbroadcast v34, $0x0;
	[sflag:s18] =	ssyncadd.s32 $0xFFFFE000  }
0x26: {  	v36 =	vadd.s32 v17, v33;
	v35 =	vld [tilespmem:s23+$0x0]  }
0x27: {  	v38 =	vadd.s32 v0, v34;
	v37 =	vld [tilespmem:s23+$0xFFFFFF00];
	_ =	sdelay $0x3  }
0x28: {  	[tilespmem:v36+s19+$0x0] =	vst.idx.msk $0xffff, v35  }
0x29: {  	v51 =	vadd.s32 v18, v33;
	[tilespmem:v38+s19+$0x0] =	vst.idx.msk $0xffff, v37;
	v35 =	vld [tilespmem:s23+$0x10]  }
0x2a: {  	v52 =	vadd.s32 v2, v34;
	v37 =	vld [tilespmem:s23+$0xFFFFFF10];
	_ =	sdelay $0x3  }
0x2b: {  	[tilespmem:v51+s19+$0x0] =	vst.idx.msk $0xffff, v35  }
0x2c: {  	v53 =	vadd.s32 v19, v33;
	[tilespmem:v52+s19+$0x0] =	vst.idx.msk $0xffff, v37;
	v35 =	vld [tilespmem:s23+$0x20]  }
0x2d: {  	v54 =	vadd.s32 v3, v34;
	v37 =	vld [tilespmem:s23+$0xFFFFFF20];
	_ =	sdelay $0x3  }
0x2e: {  	[tilespmem:v53+s19+$0x0] =	vst.idx.msk $0xffff, v35  }
0x2f: {  	s25 =	simm.s32 $0x5;
	v33 =	vadd.s32 v20, v33;
	[tilespmem:v54+s19+$0x0] =	vst.idx.msk $0xffff, v37;
	v35 =	vld [tilespmem:s23+$0x30]  }
0x30: {  	s24 =	simm.s32 $0x1;
	v56 =	vmov s25;
	v34 =	vadd.s32 v4, v34;
	v55 =	vld [tilespmem:s23+$0xFFFFFF30]  }
0x31: {  	v57 =	vmov s24;
	v37 =	vshrl.u32 v56, $0x3  }
0x32: {  	v38 =	vshrl.u32 v57, $0x3;
	v37 =	vshll.u32 v37, v1  }
0x33: {  	v38 =	vshll.u32 v38, v1;
	v37 =	vbroadcast v37, $0x0  }
0x34: {  	v38 =	vbroadcast v38, $0x0;
	[tilespmem:v33+s19+$0x0] =	vst.idx.msk $0xffff, v35  }
0x35: {  	v58 =	vadd.s32 v21, v37;
	[tilespmem:v34+s19+$0x0] =	vst.idx.msk $0xffff, v55;
	v33 =	vld [tilespmem:s23+$0x40]  }
0x36: {  	v60 =	vadd.s32 v5, v38;
	v59 =	vld [tilespmem:s23+$0xFFFFFF40]  }
0x37: {  	s26 =	simm.s32 $0xC  }
0x38: {  	s25 =	simm.s32 $0x8;
	v39 =	vmov s26  }
0x39: {  	v40 =	vmov s25;
	v39 =	vshrl.u32 v39, $0x3  }
0x3a: {  	v40 =	vshrl.u32 v40, $0x3;
	v39 =	vshll.u32 v39, v1;
	[tilespmem:v58+s19+$0x0] =	vst.idx.msk $0xffff, v33  }
0x3b: {  	v61 =	vshll.u32 v40, v1;
	v63 =	vadd.s32 v22, v37;
	v34 =	vbroadcast v39, $0x0;
	[tilespmem:v60+s19+$0x0] =	vst.idx.msk $0xffff, v59;
	v62 =	vld [tilespmem:s23+$0x50]  }
0x3c: {  	s22 =	simm.s32 $0x500;
	v49 =	vadd.s32 v6, v38;
	v33 =	vbroadcast v61, $0x0;
	v48 =	vld [tilespmem:s23+$0xFFFFFF50]  }
0x3d: {  	v41 =	vld [tilespmem:s22+$0x0];
	v42 =	vadd.s32 v17, v34  }
0x3e: {  	v43 =	vld [tilespmem:s22+$0xFFFFFF00];
	v44 =	vadd.s32 v0, v33;
	_ =	sdelay $0x1  }
0x3f: {  	[tilespmem:v63+s19+$0x0] =	vst.idx.msk $0xffff, v62  }
0x40: {  	v50 =	vadd.s32 v23, v37;
	[tilespmem:v49+s19+$0x0] =	vst.idx.msk $0xffff, v48;
	v35 =	vld [tilespmem:s23+$0x60]  }
0x41: {  	v51 =	vadd.s32 v7, v38;
	[tilespmem:v42+s19+$0x0] =	vst.idx.msk $0xffff, v41;
	v39 =	vld [tilespmem:s23+$0xFFFFFF60]  }
0x42: {  	v52 =	vadd.s32 v18, v34;
	v41 =	vld [tilespmem:s22+$0x10];
	[tilespmem:v44+s19+$0x0] =	vst.idx.msk $0xffff, v43  }
0x43: {  	v53 =	vadd.s32 v2, v33;
	v43 =	vld [tilespmem:s22+$0xFFFFFF10];
	_ =	sdelay $0x1  }
0x44: {  	[tilespmem:v50+s19+$0x0] =	vst.idx.msk $0xffff, v35  }
0x45: {  	s31 =	simm.s32 $0x6;
	v54 =	vadd.s32 v24, v37;
	[tilespmem:v51+s19+$0x0] =	vst.idx.msk $0xffff, v39;
	v35 =	vld [tilespmem:s23+$0x70]  }
0x46: {  	s26 =	simm.s32 $0x2;
	v38 =	vadd.s32 v8, v38;
	v56 =	vmov s31;
	[tilespmem:v52+s19+$0x0] =	vst.idx.msk $0xffff, v41;
	v55 =	vld [tilespmem:s23+$0xFFFFFF70]  }
0x47: {  	v58 =	vadd.s32 v19, v34;
	v59 =	vmov s26;
	v57 =	vld [tilespmem:s22+$0x20];
	v39 =	vshrl.u32 v56, $0x3;
	[tilespmem:v53+s19+$0x0] =	vst.idx.msk $0xffff, v43  }
0x48: {  	v42 =	vshrl.u32 v59, $0x3;
	v60 =	vadd.s32 v3, v33;
	v39 =	vshll.u32 v39, v1;
	v43 =	vld [tilespmem:s22+$0xFFFFFF20]  }
0x49: {  	v42 =	vshll.u32 v42, v1;
	v39 =	vbroadcast v39, $0x0  }
0x4a: {  	v42 =	vbroadcast v42, $0x0;
	[tilespmem:v54+s19+$0x0] =	vst.idx.msk $0xffff, v35  }
0x4b: {  	v61 =	vadd.s32 v25, v39;
	[tilespmem:v38+s19+$0x0] =	vst.idx.msk $0xffff, v55;
	v35 =	vld [tilespmem:s23+$0x80]  }
0x4c: {  	v62 =	vadd.s32 v9, v42;
	[tilespmem:v58+s19+$0x0] =	vst.idx.msk $0xffff, v57;
	v37 =	vld [tilespmem:s23+$0xFFFFFF80]  }
0x4d: {  	v34 =	vadd.s32 v20, v34;
	s26 =	simm.s32 $0xD;
	v40 =	vld [tilespmem:s22+$0x30];
	[tilespmem:v60+s19+$0x0] =	vst.idx.msk $0xffff, v43  }
0x4e: {  	s31 =	simm.s32 $0x9;
	v33 =	vadd.s32 v4, v33;
	v48 =	vmov s26;
	v63 =	vld [tilespmem:s22+$0xFFFFFF30]  }
0x4f: {  	v49 =	vmov s31;
	v43 =	vshrl.u32 v48, $0x3  }
0x50: {  	v44 =	vshrl.u32 v49, $0x3;
	v43 =	vshll.u32 v43, v1;
	[tilespmem:v61+s19+$0x0] =	vst.idx.msk $0xffff, v35  }
0x51: {  	v50 =	vshll.u32 v44, v1;
	v52 =	vadd.s32 v26, v39;
	v36 =	vbroadcast v43, $0x0;
	[tilespmem:v62+s19+$0x0] =	vst.idx.msk $0xffff, v37;
	v51 =	vld [tilespmem:s23+$0x90]  }
0x52: {  	v54 =	vadd.s32 v10, v42;
	[tilespmem:v34+s19+$0x0] =	vst.idx.msk $0xffff, v40;
	v43 =	vbroadcast v50, $0x0;
	v53 =	vld [tilespmem:s23+$0xFFFFFF90]  }
0x53: {  	v55 =	vld [tilespmem:s22+$0x40];
	v56 =	vadd.s32 v21, v36;
	[tilespmem:v33+s19+$0x0] =	vst.idx.msk $0xffff, v63  }
0x54: {  	v57 =	vadd.s32 v5, v43;
	v41 =	vld [tilespmem:s22+$0xFFFFFF40]  }
0x55: {  	s31 =	simm.s32 $0x14  }
0x56: {  	s26 =	simm.s32 $0x10;
	v45 =	vmov s31;
	[tilespmem:v52+s19+$0x0] =	vst.idx.msk $0xffff, v51  }
0x57: {  	v59 =	vshrl.u32 v45, $0x3;
	v58 =	vmov s26;
	v61 =	vadd.s32 v27, v39;
	[tilespmem:v54+s19+$0x0] =	vst.idx.msk $0xffff, v53;
	v60 =	vld [tilespmem:s23+$0xA0]  }
0x58: {  	v38 =	vshll.u32 v59, v1;
	v37 =	vshrl.u32 v58, $0x3;
	v63 =	vadd.s32 v11, v42;
	[tilespmem:v56+s19+$0x0] =	vst.idx.msk $0xffff, v55;
	v62 =	vld [tilespmem:s23+$0xFFFFFFA0]  }
0x59: {  	v38 =	vbroadcast v38, $0x0;
	v37 =	vshll.u32 v37, v1;
	v52 =	vld [tilespmem:s22+$0x50];
	v53 =	vadd.s32 v22, v36;
	[tilespmem:v57+s19+$0x0] =	vst.idx.msk $0xffff, v41  }
0x5a: {  	s24 =	simm.s32 $0x700;
	v46 =	vadd.s32 v6, v43;
	v37 =	vbroadcast v37, $0x0;
	v54 =	vld [tilespmem:s22+$0xFFFFFF50]  }
0x5b: {  	v47 =	vld [tilespmem:s24+$0x0];
	v48 =	vadd.s32 v17, v38  }
0x5c: {  	v49 =	vld [tilespmem:s24+$0xFFFFFF00];
	v50 =	vadd.s32 v0, v37;
	[tilespmem:v61+s19+$0x0] =	vst.idx.msk $0xffff, v60  }
0x5d: {  	s28 =	simm.s32 $0x7;
	v56 =	vadd.s32 v28, v39;
	[tilespmem:v63+s19+$0x0] =	vst.idx.msk $0xffff, v62;
	v55 =	vld [tilespmem:s23+$0xB0]  }
0x5e: {  	s29 =	simm.s32 $0x3;
	v59 =	vmov s28;
	v58 =	vadd.s32 v12, v42;
	[tilespmem:v53+s19+$0x0] =	vst.idx.msk $0xffff, v52;
	v57 =	vld [tilespmem:s23+$0xFFFFFFB0]  }
0x5f: {  	v35 =	vshrl.u32 v59, $0x3;
	v41 =	vld [tilespmem:s22+$0x60];
	v60 =	vadd.s32 v23, v36;
	v61 =	vmov s29;
	[tilespmem:v46+s19+$0x0] =	vst.idx.msk $0xffff, v54  }
0x60: {  	v35 =	vshll.u32 v35, v1;
	[tilespmem:v48+s19+$0x0] =	vst.idx.msk $0xffff, v47;
	v62 =	vadd.s32 v7, v43;
	v44 =	vshrl.u32 v61, $0x3;
	v45 =	vld [tilespmem:s22+$0xFFFFFF60]  }
0x61: {  	v47 =	vld [tilespmem:s24+$0x10];
	[tilespmem:v50+s19+$0x0] =	vst.idx.msk $0xffff, v49;
	v49 =	vbroadcast v35, $0x0;
	v63 =	vadd.s32 v18, v38;
	v44 =	vshll.u32 v44, v1  }
0x62: {  	v51 =	vadd.s32 v2, v37;
	v50 =	vld [tilespmem:s24+$0xFFFFFF10];
	v35 =	vbroadcast v44, $0x0;
	[tilespmem:v56+s19+$0x0] =	vst.idx.msk $0xffff, v55  }
0x63: {  	v52 =	vadd.s32 v29, v49;
	[tilespmem:v58+s19+$0x0] =	vst.idx.msk $0xffff, v57;
	v33 =	vld [tilespmem:s23+$0xC0]  }
0x64: {  	[tilespmem:v60+s19+$0x0] =	vst.idx.msk $0xffff, v41;
	v53 =	vadd.s32 v13, v35;
	v39 =	vld [tilespmem:s23+$0xFFFFFFC0]  }
0x65: {  	s28 =	simm.s32 $0xE;
	v36 =	vadd.s32 v24, v36;
	v41 =	vld [tilespmem:s22+$0x70];
	[tilespmem:v62+s19+$0x0] =	vst.idx.msk $0xffff, v45  }
0x66: {  	v43 =	vadd.s32 v8, v43;
	s29 =	simm.s32 $0xA;
	[tilespmem:v63+s19+$0x0] =	vst.idx.msk $0xffff, v47;
	v55 =	vmov s28;
	v54 =	vld [tilespmem:s22+$0xFFFFFF70]  }
0x67: {  	[tilespmem:v51+s19+$0x0] =	vst.idx.msk $0xffff, v50;
	v56 =	vld [tilespmem:s24+$0x20];
	v57 =	vadd.s32 v19, v38;
	v58 =	vmov s29;
	v44 =	vshrl.u32 v55, $0x3  }
0x68: {  	v59 =	vld [tilespmem:s24+$0xFFFFFF20];
	v60 =	vadd.s32 v3, v37;
	v47 =	vshrl.u32 v58, $0x3;
	v44 =	vshll.u32 v44, v1;
	[tilespmem:v52+s19+$0x0] =	vst.idx.msk $0xffff, v33  }
0x69: {  	v63 =	vadd.s32 v30, v49;
	v61 =	vshll.u32 v47, v1;
	v33 =	vbroadcast v44, $0x0;
	[tilespmem:v53+s19+$0x0] =	vst.idx.msk $0xffff, v39;
	v62 =	vld [tilespmem:s23+$0xD0]  }
0x6a: {  	v34 =	vbroadcast v61, $0x0;
	[tilespmem:v36+s19+$0x0] =	vst.idx.msk $0xffff, v41;
	v53 =	vadd.s32 v14, v35;
	v52 =	vld [tilespmem:s23+$0xFFFFFFD0]  }
0x6b: {  	[tilespmem:v43+s19+$0x0] =	vst.idx.msk $0xffff, v54;
	v54 =	vld [tilespmem:s22+$0x80];
	v55 =	vadd.s32 v25, v33  }
0x6c: {  	[tilespmem:v57+s19+$0x0] =	vst.idx.msk $0xffff, v56;
	v57 =	vadd.s32 v9, v34;
	v56 =	vld [tilespmem:s22+$0xFFFFFF80]  }
0x6d: {  	v38 =	vadd.s32 v20, v38;
	s28 =	simm.s32 $0x15;
	[tilespmem:v60+s19+$0x0] =	vst.idx.msk $0xffff, v59;
	v46 =	vld [tilespmem:s24+$0x30]  }
0x6e: {  	s29 =	simm.s32 $0x11;
	v59 =	vadd.s32 v4, v37;
	v60 =	vmov s28;
	v58 =	vld [tilespmem:s24+$0xFFFFFF30];
	[tilespmem:v63+s19+$0x0] =	vst.idx.msk $0xffff, v62  }
0x6f: {  	v61 =	vadd.s32 v31, v49;
	v37 =	vshrl.u32 v60, $0x3;
	[tilespmem:v53+s19+$0x0] =	vst.idx.msk $0xffff, v52;
	v62 =	vmov s29;
	v39 =	vld [tilespmem:s23+$0xE0]  }
0x70: {  	v37 =	vshll.u32 v37, v1;
	v52 =	vadd.s32 v15, v35;
	[tilespmem:v55+s19+$0x0] =	vst.idx.msk $0xffff, v54;
	v63 =	vld [tilespmem:s23+$0xFFFFFFE0];
	v36 =	vshrl.u32 v62, $0x3  }
0x71: {  	v37 =	vbroadcast v37, $0x0;
	v43 =	vadd.s32 v26, v33;
	[tilespmem:v57+s19+$0x0] =	vst.idx.msk $0xffff, v56;
	v41 =	vld [tilespmem:s22+$0x90];
	v36 =	vshll.u32 v36, v1  }
0x72: {  	v42 =	vadd.s32 v10, v34;
	[tilespmem:v38+s19+$0x0] =	vst.idx.msk $0xffff, v46;
	v40 =	vld [tilespmem:s22+$0xFFFFFF90];
	v36 =	vbroadcast v36, $0x0  }
0x73: {  	[tilespmem:v59+s19+$0x0] =	vst.idx.msk $0xffff, v58;
	v46 =	vadd.s32 v21, v37;
	v45 =	vld [tilespmem:s24+$0x40]  }
0x74: {  	v44 =	vld [tilespmem:s24+$0xFFFFFF40];
	v47 =	vadd.s32 v5, v36;
	[tilespmem:v61+s19+$0x0] =	vst.idx.msk $0xffff, v39  }
0x75: {  	s30 =	simm.s32 $0x1C;
	s28 =	simm.s32 $0x18;
	s29 =	simm.s32 $0x20;
	[tilespmem:v52+s19+$0x0] =	vst.idx.msk $0xffff, v63;
	v39 =	vadd.s32 v32, v49;
	v38 =	vld [tilespmem:s23+$0xF0]  }
.LBB2_2:
0x76: {  	p0 =	slt.u32 s29, $0x1F8;
	v48 =	vmov s30;
	[tilespmem:v43+s19+$0x0] =	vst.idx.msk $0xffff, v41;
	v41 =	vld [tilespmem:s23+$0xFFFFFFF0];
	v35 =	vadd.s32 v16, v35;
	s23 =	smov.u32 s22;
	s22 =	smov.u32 s24  }
0x77: {  	v43 =	vmov s28;
	v48 =	vshrl.u32 v48, $0x3;
	[tilespmem:v42+s19+$0x0] =	vst.idx.msk $0xffff, v40;
	v40 =	vld [tilespmem:s23+$0xA0];
	v42 =	vadd.s32 v27, v33  }
0x78: {  	v43 =	vshrl.u32 v43, $0x3;
	v48 =	vshll.u32 v48, v1;
	[tilespmem:v46+s19+$0x0] =	vst.idx.msk $0xffff, v45;
	v45 =	vld [tilespmem:s23+$0xFFFFFFA0];
	v46 =	vadd.s32 v11, v34  }
0x79: {  	v43 =	vshll.u32 v43, v1;
	v48 =	vbroadcast v48, $0x0;
	[tilespmem:v47+s19+$0x0] =	vst.idx.msk $0xffff, v44;
	v44 =	vld [tilespmem:s24+$0x50];
	v47 =	vadd.s32 v22, v37  }
0x7a: {  	v50 =	vadd.s32 v6, v36;
	v43 =	vbroadcast v43, $0x0;
	s24 =	sadd.s32 $0x200, s24;
	v49 =	vld [tilespmem:s22+$0xFFFFFF50];
	[tilespmem:v39+s19+$0x0] =	vst.idx.msk $0xffff, v38  }
0x7b: {  	v38 =	vld [tilespmem:s24+$0x0];
	v39 =	vadd.s32 v17, v48;
	[tilespmem:v35+s19+$0x0] =	vst.idx.msk $0xffff, v41  }
0x7c: {  	v41 =	vadd.s32 v0, v43;
	v35 =	vld [tilespmem:s24+$0xFFFFFF00];
	[tilespmem:v42+s19+$0x0] =	vst.idx.msk $0xffff, v40  }
0x7d: {  	s30 =	sadd.s32 $0x7, s25;
	v33 =	vadd.s32 v28, v33;
	[tilespmem:v46+s19+$0x0] =	vst.idx.msk $0xffff, v45;
	v40 =	vld [tilespmem:s23+$0xB0]  }
0x7e: {  	s31 =	sadd.s32 $0x3, s25;
	s25 =	smov.u32 s26;
	s26 =	smov.u32 s28;
	v34 =	vadd.s32 v12, v34;
	[tilespmem:v47+s19+$0x0] =	vst.idx.msk $0xffff, v44;
	v42 =	vld [tilespmem:s23+$0xFFFFFFB0];
	v44 =	vmov s30  }
0x7f: {  	s28 =	smov.u32 s29;
	v46 =	vadd.s32 v23, v37;
	v47 =	vmov s31;
	[tilespmem:v50+s19+$0x0] =	vst.idx.msk $0xffff, v49;
	v45 =	vld [tilespmem:s22+$0x60];
	v44 =	vshrl.u32 v44, $0x3  }
0x80: {  	v47 =	vshrl.u32 v47, $0x3;
	[tilespmem:v39+s19+$0x0] =	vst.idx.msk $0xffff, v38;
	v38 =	vld [tilespmem:s22+$0xFFFFFF60];
	v39 =	vadd.s32 v7, v36;
	v44 =	vshll.u32 v44, v1  }
0x81: {  	v49 =	vadd.s32 v18, v48;
	[tilespmem:v41+s19+$0x0] =	vst.idx.msk $0xffff, v35;
	v41 =	vld [tilespmem:s24+$0x10];
	v35 =	vshll.u32 v47, v1;
	v50 =	vbroadcast v44, $0x0  }
0x82: {  	v47 =	vadd.s32 v2, v43;
	v44 =	vld [tilespmem:s24+$0xFFFFFF10];
	v35 =	vbroadcast v35, $0x0;
	[tilespmem:v33+s19+$0x0] =	vst.idx.msk $0xffff, v40  }
0x83: {  	[tilespmem:v34+s19+$0x0] =	vst.idx.msk $0xffff, v42;
	v33 =	vld [tilespmem:s23+$0xC0];
	v34 =	vadd.s32 v29, v50  }
0x84: {  	[tilespmem:v46+s19+$0x0] =	vst.idx.msk $0xffff, v45;
	v40 =	vld [tilespmem:s23+$0xFFFFFFC0];
	v42 =	vadd.s32 v13, v35  }
0x85: {  	v37 =	vadd.s32 v24, v37;
	s30 =	sadd.s32 $0x6, s25;
	[tilespmem:v39+s19+$0x0] =	vst.idx.msk $0xffff, v38;
	v38 =	vld [tilespmem:s22+$0x70]  }
0x86: {  	s31 =	sadd.s32 $0x2, s25;
	v36 =	vadd.s32 v8, v36;
	[tilespmem:v49+s19+$0x0] =	vst.idx.msk $0xffff, v41;
	v39 =	vld [tilespmem:s22+$0xFFFFFF70];
	v41 =	vmov s30  }
0x87: {  	v45 =	vadd.s32 v19, v48;
	v46 =	vmov s31;
	[tilespmem:v47+s19+$0x0] =	vst.idx.msk $0xffff, v44;
	v44 =	vld [tilespmem:s24+$0x20];
	v41 =	vshrl.u32 v41, $0x3  }
0x88: {  	v46 =	vshrl.u32 v46, $0x3;
	v49 =	vadd.s32 v3, v43;
	v47 =	vld [tilespmem:s24+$0xFFFFFF20];
	v41 =	vshll.u32 v41, v1;
	[tilespmem:v34+s19+$0x0] =	vst.idx.msk $0xffff, v33  }
0x89: {  	v34 =	vshll.u32 v46, v1;
	v33 =	vbroadcast v41, $0x0;
	[tilespmem:v42+s19+$0x0] =	vst.idx.msk $0xffff, v40;
	v40 =	vld [tilespmem:s23+$0xD0];
	v41 =	vadd.s32 v30, v50  }
0x8a: {  	v34 =	vbroadcast v34, $0x0;
	[tilespmem:v37+s19+$0x0] =	vst.idx.msk $0xffff, v38;
	v37 =	vld [tilespmem:s23+$0xFFFFFFD0];
	v38 =	vadd.s32 v14, v35  }
0x8b: {  	[tilespmem:v36+s19+$0x0] =	vst.idx.msk $0xffff, v39;
	v36 =	vld [tilespmem:s22+$0x80];
	v39 =	vadd.s32 v25, v33  }
0x8c: {  	[tilespmem:v45+s19+$0x0] =	vst.idx.msk $0xffff, v44;
	v42 =	vld [tilespmem:s22+$0xFFFFFF80];
	v44 =	vadd.s32 v9, v34  }
0x8d: {  	s30 =	sadd.s32 $0x5, s26;
	v46 =	vadd.s32 v20, v48;
	[tilespmem:v49+s19+$0x0] =	vst.idx.msk $0xffff, v47;
	v45 =	vld [tilespmem:s24+$0x30]  }
0x8e: {  	s31 =	sadd.s32 $0x1, s26;
	v48 =	vadd.s32 v4, v43;
	v43 =	vmov s30;
	v47 =	vld [tilespmem:s24+$0xFFFFFF30];
	[tilespmem:v41+s19+$0x0] =	vst.idx.msk $0xffff, v40  }
0x8f: {  	v49 =	vadd.s32 v31, v50;
	v40 =	vmov s31;
	v41 =	vshrl.u32 v43, $0x3;
	[tilespmem:v38+s19+$0x0] =	vst.idx.msk $0xffff, v37;
	v38 =	vld [tilespmem:s23+$0xE0]  }
0x90: {  	v51 =	vadd.s32 v15, v35;
	v37 =	vshrl.u32 v40, $0x3;
	v40 =	vshll.u32 v41, v1;
	[tilespmem:v39+s19+$0x0] =	vst.idx.msk $0xffff, v36;
	v39 =	vld [tilespmem:s23+$0xFFFFFFE0]  }
.Ltmp0:
0x91: {  	v43 =	vadd.s32 v26, v33;
	v36 =	vshll.u32 v37, v1;
	v37 =	vbroadcast v40, $0x0;
	[tilespmem:v44+s19+$0x0] =	vst.idx.msk $0xffff, v42;
	v41 =	vld [tilespmem:s22+$0x90];
	(pc) =	sbr.rel @p0 .LBB2_2-.Ltmp0, $4  }
0x92: {  	v36 =	vbroadcast v36, $0x0;
	v42 =	vadd.s32 v10, v34;
	[tilespmem:v46+s19+$0x0] =	vst.idx.msk $0xffff, v45;
	v40 =	vld [tilespmem:s22+$0xFFFFFF90]  }
0x93: {  	v46 =	vadd.s32 v21, v37;
	[tilespmem:v48+s19+$0x0] =	vst.idx.msk $0xffff, v47;
	v45 =	vld [tilespmem:s24+$0x40]  }
0x94: {  	v47 =	vadd.s32 v5, v36;
	v44 =	vld [tilespmem:s24+$0xFFFFFF40];
	[tilespmem:v49+s19+$0x0] =	vst.idx.msk $0xffff, v38  }
0x95: {  	s29 =	sadd.s32 $0x8, s29;
	s30 =	sadd.s32 $0x4, s28;
	[tilespmem:v51+s19+$0x0] =	vst.idx.msk $0xffff, v39;
	v38 =	vld [tilespmem:s23+$0xF0];
	v39 =	vadd.s32 v32, v50  }
0x96: {  	v48 =	vmov s30  }
0x97: {  	v49 =	vmov s28;
	v48 =	vshrl.u32 v48, $0x3  }
0x98: {  	v49 =	vshrl.u32 v49, $0x3;
	v48 =	vshll.u32 v48, v1  }
0x99: {  	v49 =	vshll.u32 v49, v1;
	v48 =	vbroadcast v48, $0x0  }
0x9a: {  	s29 =	sadd.s32 $0x200, s24;
	v49 =	vbroadcast v49, $0x0  }
0x9b: {  	v50 =	vld [tilespmem:s29+$0x0];
	v51 =	vadd.s32 v17, v48  }
0x9c: {  	v52 =	vld [tilespmem:s29+$0xFFFFFF00];
	v53 =	vadd.s32 v0, v49;
	_ =	sdelay $0x3  }
0x9d: {  	[tilespmem:v51+s19+$0x0] =	vst.idx.msk $0xffff, v50  }
0x9e: {  	v57 =	vadd.s32 v18, v48;
	[tilespmem:v53+s19+$0x0] =	vst.idx.msk $0xffff, v52;
	v50 =	vld [tilespmem:s29+$0x10]  }
0x9f: {  	v58 =	vadd.s32 v2, v49;
	v52 =	vld [tilespmem:s29+$0xFFFFFF10];
	_ =	sdelay $0x3  }
0xa0: {  	[tilespmem:v57+s19+$0x0] =	vst.idx.msk $0xffff, v50  }
0xa1: {  	v59 =	vadd.s32 v19, v48;
	[tilespmem:v58+s19+$0x0] =	vst.idx.msk $0xffff, v52;
	v50 =	vld [tilespmem:s29+$0x20]  }
0xa2: {  	v60 =	vadd.s32 v3, v49;
	v52 =	vld [tilespmem:s29+$0xFFFFFF20];
	_ =	sdelay $0x3  }
0xa3: {  	[tilespmem:v59+s19+$0x0] =	vst.idx.msk $0xffff, v50  }
0xa4: {  	s30 =	sadd.s32 $0x5, s28;
	v48 =	vadd.s32 v20, v48;
	[tilespmem:v60+s19+$0x0] =	vst.idx.msk $0xffff, v52;
	v50 =	vld [tilespmem:s29+$0x30]  }
0xa5: {  	s31 =	sadd.s32 $0x1, s28;
	v62 =	vmov s30;
	v49 =	vadd.s32 v4, v49;
	v61 =	vld [tilespmem:s29+$0xFFFFFF30]  }
0xa6: {  	v63 =	vmov s31;
	v52 =	vshrl.u32 v62, $0x3  }
0xa7: {  	v53 =	vshrl.u32 v63, $0x3;
	v52 =	vshll.u32 v52, v1  }
0xa8: {  	v53 =	vshll.u32 v53, v1;
	v52 =	vbroadcast v52, $0x0  }
0xa9: {  	v53 =	vbroadcast v53, $0x0;
	[tilespmem:v48+s19+$0x0] =	vst.idx.msk $0xffff, v50  }
0xaa: {  	v54 =	vadd.s32 v21, v52;
	[tilespmem:v49+s19+$0x0] =	vst.idx.msk $0xffff, v61;
	v48 =	vld [tilespmem:s29+$0x40]  }
0xab: {  	v56 =	vadd.s32 v5, v53;
	v55 =	vld [tilespmem:s29+$0xFFFFFF40]  }
0xac: {  	[tilespmem:v46+s19+$0x0] =	vst.idx.msk $0xffff, v45  }
0xad: {  	[tilespmem:v47+s19+$0x0] =	vst.idx.msk $0xffff, v44;
	v57 =	vld [tilespmem:s24+$0x50];
	v58 =	vadd.s32 v22, v37  }
0xae: {  	v59 =	vld [tilespmem:s24+$0xFFFFFF50];
	v60 =	vadd.s32 v6, v36  }
0xaf: {  	[tilespmem:v54+s19+$0x0] =	vst.idx.msk $0xffff, v48  }
0xb0: {  	v61 =	vadd.s32 v22, v52;
	[tilespmem:v56+s19+$0x0] =	vst.idx.msk $0xffff, v55;
	v48 =	vld [tilespmem:s29+$0x50]  }
0xb1: {  	v62 =	vadd.s32 v6, v53;
	v50 =	vld [tilespmem:s29+$0xFFFFFF50]  }
0xb2: {  	[tilespmem:v58+s19+$0x0] =	vst.idx.msk $0xffff, v57  }
0xb3: {  	v63 =	vadd.s32 v23, v37;
	v44 =	vld [tilespmem:s24+$0x60];
	[tilespmem:v60+s19+$0x0] =	vst.idx.msk $0xffff, v59  }
0xb4: {  	v46 =	vld [tilespmem:s24+$0xFFFFFF60];
	v54 =	vadd.s32 v7, v36  }
0xb5: {  	[tilespmem:v61+s19+$0x0] =	vst.idx.msk $0xffff, v48  }
0xb6: {  	v55 =	vadd.s32 v23, v52;
	[tilespmem:v62+s19+$0x0] =	vst.idx.msk $0xffff, v50;
	v48 =	vld [tilespmem:s29+$0x60]  }
0xb7: {  	v56 =	vadd.s32 v7, v53;
	v50 =	vld [tilespmem:s29+$0xFFFFFF60]  }
0xb8: {  	s30 =	sadd.s32 $0x6, s26;
	[tilespmem:v63+s19+$0x0] =	vst.idx.msk $0xffff, v44  }
0xb9: {  	v37 =	vadd.s32 v24, v37;
	v57 =	vmov s30;
	v44 =	vld [tilespmem:s24+$0x70];
	[tilespmem:v54+s19+$0x0] =	vst.idx.msk $0xffff, v46  }
0xba: {  	s31 =	sadd.s32 $0x2, s26;
	v45 =	vshrl.u32 v57, $0x3;
	v59 =	vadd.s32 v8, v36;
	v47 =	vld [tilespmem:s24+$0xFFFFFF70]  }
0xbb: {  	v58 =	vmov s31;
	v45 =	vshll.u32 v45, v1;
	[tilespmem:v55+s19+$0x0] =	vst.idx.msk $0xffff, v48  }
0xbc: {  	s30 =	sadd.s32 $0x6, s28;
	v45 =	vbroadcast v45, $0x0;
	v63 =	vadd.s32 v24, v52;
	v46 =	vshrl.u32 v58, $0x3;
	[tilespmem:v56+s19+$0x0] =	vst.idx.msk $0xffff, v50;
	v62 =	vld [tilespmem:s29+$0x70]  }
0xbd: {  	s31 =	sadd.s32 $0x2, s28;
	v60 =	vmov s30;
	v53 =	vadd.s32 v8, v53;
	v46 =	vshll.u32 v46, v1;
	v56 =	vld [tilespmem:s29+$0xFFFFFF70]  }
0xbe: {  	[tilespmem:v37+s19+$0x0] =	vst.idx.msk $0xffff, v44;
	v61 =	vmov s31;
	v37 =	vbroadcast v46, $0x0;
	v48 =	vshrl.u32 v60, $0x3  }
0xbf: {  	v57 =	vshrl.u32 v61, $0x3;
	[tilespmem:v59+s19+$0x0] =	vst.idx.msk $0xffff, v47;
	v59 =	vld [tilespmem:s24+$0x80];
	v60 =	vadd.s32 v25, v45;
	v58 =	vshll.u32 v48, v1  }
0xc0: {  	v44 =	vshll.u32 v57, v1;
	v46 =	vbroadcast v58, $0x0  }
0xc1: {  	v44 =	vbroadcast v44, $0x0;
	v61 =	vld [tilespmem:s24+$0xFFFFFF80];
	[tilespmem:v63+s19+$0x0] =	vst.idx.msk $0xffff, v62;
	v62 =	vadd.s32 v9, v37  }
0xc2: {  	[tilespmem:v53+s19+$0x0] =	vst.idx.msk $0xffff, v56;
	v63 =	vadd.s32 v25, v46;
	v50 =	vld [tilespmem:s29+$0x80]  }
0xc3: {  	[tilespmem:v43+s19+$0x0] =	vst.idx.msk $0xffff, v41;
	v55 =	vadd.s32 v9, v44;
	v54 =	vld [tilespmem:s29+$0xFFFFFF80]  }
0xc4: {  	v35 =	vadd.s32 v16, v35;
	[tilespmem:v60+s19+$0x0] =	vst.idx.msk $0xffff, v59;
	v56 =	vld [tilespmem:s23+$0xFFFFFFF0]  }
0xc5: {  	[tilespmem:v42+s19+$0x0] =	vst.idx.msk $0xffff, v40;
	v57 =	vadd.s32 v26, v45;
	v36 =	vld [tilespmem:s24+$0x90]  }
0xc6: {  	v52 =	vld [tilespmem:s22+$0xA0];
	v53 =	vadd.s32 v27, v33;
	[tilespmem:v62+s19+$0x0] =	vst.idx.msk $0xffff, v61  }
0xc7: {  	v59 =	vadd.s32 v10, v37;
	v58 =	vld [tilespmem:s24+$0xFFFFFF90];
	[tilespmem:v63+s19+$0x0] =	vst.idx.msk $0xffff, v50  }
0xc8: {  	[tilespmem:v55+s19+$0x0] =	vst.idx.msk $0xffff, v54;
	v54 =	vld [tilespmem:s22+$0xFFFFFFA0];
	v55 =	vadd.s32 v11, v34  }
0xc9: {  	v61 =	vadd.s32 v26, v46;
	[tilespmem:v35+s19+$0x0] =	vst.idx.msk $0xffff, v56;
	v60 =	vld [tilespmem:s29+$0x90]  }
0xca: {  	[tilespmem:v57+s19+$0x0] =	vst.idx.msk $0xffff, v36  }
0xcb: {  	[tilespmem:v53+s19+$0x0] =	vst.idx.msk $0xffff, v52;
	v63 =	vadd.s32 v10, v44;
	v62 =	vld [tilespmem:s29+$0xFFFFFF90]  }
0xcc: {  	v57 =	vadd.s32 v27, v45;
	v42 =	vld [tilespmem:s24+$0xA0];
	[tilespmem:v59+s19+$0x0] =	vst.idx.msk $0xffff, v58  }
0xcd: {  	s30 =	sadd.s32 $0x7, s25;
	v53 =	vld [tilespmem:s22+$0xB0];
	[tilespmem:v55+s19+$0x0] =	vst.idx.msk $0xffff, v54;
	v54 =	vadd.s32 v28, v33  }
0xce: {  	v56 =	vmov s30;
	[tilespmem:v61+s19+$0x0] =	vst.idx.msk $0xffff, v60;
	v59 =	vld [tilespmem:s24+$0xFFFFFFA0];
	v60 =	vadd.s32 v11, v37  }
0xcf: {  	s31 =	sadd.s32 $0x3, s25;
	v36 =	vshrl.u32 v56, $0x3;
	v56 =	vadd.s32 v12, v34;
	v55 =	vld [tilespmem:s22+$0xFFFFFFB0]  }
0xd0: {  	v36 =	vshll.u32 v36, v1;
	v58 =	vmov s31;
	[tilespmem:v63+s19+$0x0] =	vst.idx.msk $0xffff, v62;
	v62 =	vadd.s32 v27, v46;
	v61 =	vld [tilespmem:s29+$0xA0]  }
0xd1: {  	v52 =	vadd.s32 v11, v44;
	v36 =	vbroadcast v36, $0x0;
	[tilespmem:v57+s19+$0x0] =	vst.idx.msk $0xffff, v42;
	v48 =	vshrl.u32 v58, $0x3;
	v63 =	vld [tilespmem:s29+$0xFFFFFFA0]  }
0xd2: {  	v48 =	vshll.u32 v48, v1;
	[tilespmem:v54+s19+$0x0] =	vst.idx.msk $0xffff, v53  }
0xd3: {  	v42 =	vadd.s32 v29, v36;
	v58 =	vadd.s32 v28, v45;
	v40 =	vbroadcast v48, $0x0;
	[tilespmem:v60+s19+$0x0] =	vst.idx.msk $0xffff, v59  }
0xd4: {  	s25 =	sadd.s32 $0x7, s26;
	s30 =	sadd.s32 $0x7, s28;
	v57 =	vld [tilespmem:s24+$0xB0];
	v37 =	vadd.s32 v12, v37;
	v46 =	vadd.s32 v28, v46;
	[tilespmem:v56+s19+$0x0] =	vst.idx.msk $0xffff, v55  }
0xd5: {  	s26 =	sadd.s32 $0x3, s26;
	s31 =	sadd.s32 $0x3, s28;
	v47 =	vadd.s32 v13, v40;
	v53 =	vmov s30;
	v59 =	vmov s25;
	[tilespmem:v62+s19+$0x0] =	vst.idx.msk $0xffff, v61;
	v60 =	vld [tilespmem:s24+$0xFFFFFFB0]  }
0xd6: {  	v55 =	vmov s31;
	v61 =	vmov s26;
	v45 =	vshrl.u32 v59, $0x3;
	[tilespmem:v52+s19+$0x0] =	vst.idx.msk $0xffff, v63;
	v49 =	vld [tilespmem:s29+$0xB0]  }
0xd7: {  	[tilespmem:v39+s19+$0x0] =	vst.idx.msk $0xffff, v38;
	v52 =	vadd.s32 v12, v44;
	v39 =	vshrl.u32 v61, $0x3;
	v45 =	vshll.u32 v45, v1;
	v63 =	vld [tilespmem:s29+$0xFFFFFFB0]  }
0xd8: {  	v54 =	vld [tilespmem:s22+$0xC0];
	v44 =	vshrl.u32 v53, $0x3;
	v62 =	vshll.u32 v39, v1;
	v45 =	vbroadcast v45, $0x0  }
0xd9: {  	[tilespmem:v58+s19+$0x0] =	vst.idx.msk $0xffff, v57;
	v56 =	vld [tilespmem:s22+$0xFFFFFFC0];
	v57 =	vshrl.u32 v55, $0x3;
	v58 =	vshll.u32 v44, v1;
	v33 =	vbroadcast v62, $0x0  }
0xda: {  	v59 =	vld [tilespmem:s24+$0xC0];
	v41 =	vshll.u32 v57, v1;
	v43 =	vbroadcast v58, $0x0;
	[tilespmem:v37+s19+$0x0] =	vst.idx.msk $0xffff, v60;
	v60 =	vadd.s32 v29, v45  }
0xdb: {  	v41 =	vbroadcast v41, $0x0;
	v62 =	vadd.s32 v13, v33;
	v61 =	vld [tilespmem:s24+$0xFFFFFFC0];
	[tilespmem:v46+s19+$0x0] =	vst.idx.msk $0xffff, v49  }
0xdc: {  	[tilespmem:v52+s19+$0x0] =	vst.idx.msk $0xffff, v63;
	v52 =	vadd.s32 v29, v43;
	v63 =	vld [tilespmem:s29+$0xC0]  }
0xdd: {  	[tilespmem:v42+s19+$0x0] =	vst.idx.msk $0xffff, v54;
	v54 =	vadd.s32 v13, v41;
	v53 =	vld [tilespmem:s29+$0xFFFFFFC0]  }
0xde: {  	[tilespmem:v47+s19+$0x0] =	vst.idx.msk $0xffff, v56;
	v55 =	vld [tilespmem:s22+$0xD0];
	v56 =	vadd.s32 v30, v36  }
0xdf: {  	v58 =	vadd.s32 v14, v40;
	v57 =	vld [tilespmem:s22+$0xFFFFFFD0];
	[tilespmem:v60+s19+$0x0] =	vst.idx.msk $0xffff, v59  }
0xe0: {  	v59 =	vadd.s32 v30, v45;
	[tilespmem:v62+s19+$0x0] =	vst.idx.msk $0xffff, v61;
	v37 =	vld [tilespmem:s24+$0xD0]  }
0xe1: {  	v60 =	vadd.s32 v14, v33;
	v44 =	vld [tilespmem:s24+$0xFFFFFFD0];
	[tilespmem:v52+s19+$0x0] =	vst.idx.msk $0xffff, v63  }
0xe2: {  	v62 =	vadd.s32 v30, v43;
	[tilespmem:v54+s19+$0x0] =	vst.idx.msk $0xffff, v53;
	v61 =	vld [tilespmem:s29+$0xD0]  }
0xe3: {  	[tilespmem:v56+s19+$0x0] =	vst.idx.msk $0xffff, v55;
	v52 =	vadd.s32 v14, v41;
	v63 =	vld [tilespmem:s29+$0xFFFFFFD0]  }
0xe4: {  	[tilespmem:v58+s19+$0x0] =	vst.idx.msk $0xffff, v57;
	v46 =	vld [tilespmem:s22+$0xE0];
	v53 =	vadd.s32 v31, v36  }
0xe5: {  	v49 =	vld [tilespmem:s22+$0xFFFFFFE0];
	v54 =	vadd.s32 v15, v40;
	[tilespmem:v59+s19+$0x0] =	vst.idx.msk $0xffff, v37  }
0xe6: {  	v55 =	vadd.s32 v31, v45;
	[tilespmem:v60+s19+$0x0] =	vst.idx.msk $0xffff, v44;
	v37 =	vld [tilespmem:s24+$0xE0]  }
0xe7: {  	v56 =	vadd.s32 v15, v33;
	v44 =	vld [tilespmem:s24+$0xFFFFFFE0];
	[tilespmem:v62+s19+$0x0] =	vst.idx.msk $0xffff, v61  }
0xe8: {  	v57 =	vadd.s32 v31, v43;
	[tilespmem:v52+s19+$0x0] =	vst.idx.msk $0xffff, v63;
	v34 =	vld [tilespmem:s29+$0xE0]  }
0xe9: {  	v58 =	vadd.s32 v15, v41;
	[tilespmem:v53+s19+$0x0] =	vst.idx.msk $0xffff, v46;
	v39 =	vld [tilespmem:s29+$0xFFFFFFE0]  }
0xea: {  	v36 =	vadd.s32 v32, v36;
	[tilespmem:v54+s19+$0x0] =	vst.idx.msk $0xffff, v49;
	v46 =	vld [tilespmem:s22+$0xF0]  }
0xeb: {  	v40 =	vadd.s32 v16, v40;
	v59 =	vld [tilespmem:s22+$0xFFFFFFF0];
	[tilespmem:v55+s19+$0x0] =	vst.idx.msk $0xffff, v37  }
0xec: {  	v60 =	vadd.s32 v32, v45;
	[tilespmem:v56+s19+$0x0] =	vst.idx.msk $0xffff, v44;
	v37 =	vld [tilespmem:s24+$0xF0]  }
0xed: {  	v33 =	vadd.s32 v16, v33;
	v44 =	vld [tilespmem:s24+$0xFFFFFFF0];
	[tilespmem:v57+s19+$0x0] =	vst.idx.msk $0xffff, v34  }
0xee: {  	v61 =	vadd.s32 v32, v43;
	[tilespmem:v58+s19+$0x0] =	vst.idx.msk $0xffff, v39;
	v34 =	vld [tilespmem:s29+$0xF0]  }
0xef: {  	v63 =	vadd.s32 v16, v41;
	[tilespmem:v36+s19+$0x0] =	vst.idx.msk $0xffff, v46;
	v62 =	vld [tilespmem:s29+$0xFFFFFFF0]  }
0xf0: {  	[tilespmem:v40+s19+$0x0] =	vst.idx.msk $0xffff, v59  }
0xf1: {  	[tilespmem:v60+s19+$0x0] =	vst.idx.msk $0xffff, v37  }
0xf2: {  	[tilespmem:v33+s19+$0x0] =	vst.idx.msk $0xffff, v44  }
0xf3: {  	s23 =	simm.s32 $0x800;
	[tilespmem:v61+s19+$0x0] =	vst.idx.msk $0xffff, v34  }
0xf4: {  	s25 =	sadd.s32 $0x0, s5;
	s22 =	simm.s32 $0x8200;
	s24 =	simm.s32 $0x8408;
	[tilespmem:v63+s19+$0x0] =	vst.idx.msk $0xffff, v62  }
.LBB2_4:
0xf5: {  	[hbm4b:s25+s3] =	stream.linear.scatter [tilespmem:s22], [sflag:$0x5], $0x200, $0x38;
	[tilespmem:$0x10400] =	vst v63  }
0xf6: {  	s25 =	smov.u32 s23;
	s22 =	smov.u32 s24;
	p0 =	sne.s32 s23, $0x1F800  }
.Ltmp1:
0xf7: {  	s23 =	sadd.s32 $0x800, s23;
	(pc) =	sbr.rel @p0 .LBB2_4-.Ltmp1, $2  }
0xf8: {  	_ =	sdelay $0x2  }
0xf9: {  	s24 =	sadd.s32 $0x208, s24;
	s25 =	sadd.s32 s25, s5  }
0xfa: {  	s21 =	sadd.s32 $0x1, s21  }
0xfb: {  	p0 =	sne.s32 s21, s6  }
.Ltmp2:
0xfc: {  	_ = 	snop;
	(pc) =	sbr.rel @p0 .LBB2_1-.Ltmp2, $4  }
0xfd: {  	[hbm4b:s25+s3] =	stream.linear.scatter [tilespmem:s22], [sflag:$0x5], $0x200, $0x38;
	[tilespmem:$0x10400] =	vst v63  }
0xfe: {  	_ =	swait.ge [sflag:s20], $0x8000  }
0xff: {  	[sflag:s20] =	ssyncset.done $0x0  }
0x100: {  	[sflag:s20] =	ssyncadd.s32 $0xFFFF8000  }
0x101: {  	_ =	sfence.sel $0x180000  }
0x102: {  	[bflag:$0x0] =	sbarrier.arrive $0xFFFF  }
0x103: {  	p0 =	sne.s32 s2, $0x0;
	_ =	strace $0x90000047  }
0x104: {  	s0 =	sadd.s32 @!p0 $0x100000, s1;
	[bflag:$0x2] =	sbarrier.arrive $0xFFFF  }
0x105: {  	[sflag:s0] =	ssyncadd.tile.s32 @!p0 $0x1;
	_ =	shalt  }
.Lfunc_end2:
_tile_overlayer_lowered:
.L_overlay_start_2:
0x106: {  	(tag) =	ssettag $0x2  }
0x107: {  	s0 =	rddreg [dreg:$0x0];
	s2 =	stileid.u32  }
0x108: {  	s1 =	rddreg [dreg:$0x1];
	p0 =	sne.s32 s2, $0x0  }
0x109: {  	s3 =	rddreg [dreg:$0x2];
	[bflag:$0x3] =	sbarrier.arrive $0xFFFF;
	s2 =	simm.s32 @!p0 $0x1C06  }
0x10a: {  	[timem:s3], [sflag:s2] =	dma.local @!p0 [hbm:s0], s1  }
0x10b: {  	s0 =	simm.s32 @!p0 $0x6  }
0x10c: {  	_ =	swait.ge @!p0 [sflag:s0], s1  }
0x10d: {  	s1 =	ssub.s32 @!p0 $0x0, s1;
	[sflag:s0] =	ssyncset.done @!p0 $0x0  }
0x10e: {  	[sflag:s0] =	ssyncadd.s32 @!p0 s1  }
0x10f: {  	[bflag:$0x3] =	sbarrier.arrive $0xFFFF  }
0x110: {  	_ =	shalt  }

</sc_bundles>
